<compile_context>
chip_gen: v7x
topology: tpu7x:2x2x1
jax: 0.10.2.dev20260603
libtpu: 0.0.44.dev20260713+nightly
codegen_flags: <defaults>
</compile_context>

<pallas_src>
import functools

import jax
import jax.numpy as jnp
from jax import lax
from jax.experimental import pallas as pl
from jax.experimental.pallas import tpu as pltpu
from jax.experimental.pallas import tpu_sc as plsc

_B, _H, _W = 8, 2048, 2048
_N = 64
_LANES = 16
_NTILES = _N // _LANES


def _probe_gather(x_hbm, b_hbm, y_hbm, xc_hbm, out_hbm,
                  b_v, y_v, xc_v, wins_v, val_v, sem):
    sid = lax.axis_index("s")

    @pl.when(sid < _NTILES)
    def _():
        base = sid * _LANES
        pltpu.sync_copy(b_hbm.at[pl.ds(base, _LANES)], b_v)
        pltpu.sync_copy(y_hbm.at[pl.ds(base, _LANES)], y_v)
        pltpu.sync_copy(xc_hbm.at[pl.ds(base, _LANES)], xc_v)
        rows = b_v[...] * _H + y_v[...]
        xcv = xc_v[...]
        col0s = xcv & ~(_LANES - 1)
        lanes = xcv & (_LANES - 1)
        copies = []
        for i in range(_LANES):
            c0 = pl.multiple_of(col0s[i], _LANES)
            copies.append(pltpu.make_async_copy(
                x_hbm.at[rows[i], pl.ds(c0, _LANES)],
                wins_v.at[pl.ds(i * _LANES, _LANES)], sem))
        for c in copies:
            c.start()
        for c in copies:
            c.wait()
        lidx = lax.iota(jnp.int32, _LANES)
        acc = jnp.zeros((_LANES,), jnp.float32)
        for i in range(_LANES):
            win = wins_v[pl.ds(i * _LANES, _LANES)]
            lane_b = jnp.full((_LANES,), lanes[i], jnp.int32)
            g = win.at[lane_b].get(mode="promise_in_bounds")
            acc = jnp.where(lidx == i, g, acc)
        val_v[...] = acc
        pltpu.sync_copy(val_v, out_hbm.at[pl.ds(base, _LANES)])


def kernel(x, bidx, y, xc):
    x2 = x.reshape(_B * _H, _W)
    mesh = plsc.VectorSubcoreMesh(
        core_axis_name="c", subcore_axis_name="s", num_cores=1)
    run = functools.partial(
        pl.kernel,
        out_type=jax.ShapeDtypeStruct((_N,), jnp.float32),
        mesh=mesh,
        scratch_types=[
            pltpu.VMEM((_LANES,), jnp.int32),
            pltpu.VMEM((_LANES,), jnp.int32),
            pltpu.VMEM((_LANES,), jnp.int32),
            pltpu.VMEM((_LANES * _LANES,), jnp.float32),
            pltpu.VMEM((_LANES,), jnp.float32),
            pltpu.SemaphoreType.DMA,
        ],
    )(_probe_gather)
    return run(x2, bidx, y, xc)

# --- scband reference (transcript-rebuilt; emitter-appended) ---
"""Pipeline reference for scband-wave-probe-torch-46712064311635 (READ-ONLY COPY).

The authoritative reference and input builder live on the scoring server;
editing this copy changes nothing except your own understanding.
"""

import jax, jax.numpy as jnp
import numpy as np


def setup_inputs(seed: int = 0) -> dict:
    key = jax.random.key(seed)
    x = jax.random.normal(key, (8, 2048, 2048), dtype=jnp.float32)
    # probe coordinates (constants registered as buffers in the torch module)
    bidx = jnp.tile(jnp.arange(8, dtype=jnp.int32), 8)          # [64], values in [0,8)
    y = jnp.arange(64, dtype=jnp.int32) * 31                    # [64], max 1953 < 2048
    xc = jnp.arange(64, dtype=jnp.int32) * 29 + 5               # [64], max 1832 < 2048
    return {"x": x, "bidx": bidx, "y": y, "xc": xc}


def reference(x, bidx, y, xc):
    # WaveProbeBase.forward2d: x[self.bidx, self.y, self.x]
    return x[bidx, y, xc]

if __name__ == "__main__":
    import jax
    _d = setup_inputs()
    print(jax.jit(kernel)(*tuple(_d.values())))

</pallas_src>

<mosaic_0001>
#map = affine_map<(d0, d1) -> (0, 0)>
#map1 = affine_map<(d0, d1) -> (0)>
module attributes {stable_mosaic.version = 14 : i64} {
  func.func @_probe_gather(%arg0: i32, %arg1: i32, %arg2: memref<16384x2048xf32, #tpu.memory_space<hbm>>, %arg3: memref<64xi32, #tpu.memory_space<hbm>>, %arg4: memref<64xi32, #tpu.memory_space<hbm>>, %arg5: memref<64xi32, #tpu.memory_space<hbm>>, %arg6: memref<64xf32, #tpu.memory_space<hbm>>, %arg7: memref<16xi32, #tpu.memory_space<vmem>>, %arg8: memref<16xi32, #tpu.memory_space<vmem>>, %arg9: memref<16xi32, #tpu.memory_space<vmem>>, %arg10: memref<256xf32, #tpu.memory_space<vmem>>, %arg11: memref<16xf32, #tpu.memory_space<vmem>>, %arg12: memref<!tpu.dma_semaphore, #tpu.memory_space<semaphore_mem>>) attributes {dimension_semantics = [#tpu.dimension_semantics<core_parallel>, #tpu.dimension_semantics<subcore_parallel>], iteration_bounds = array<i64: 1, 16>, scalar_prefetch = 0 : i64, scratch_operands = 6 : i64, tpu.core_type = #tpu.core_type<sc_vector_subcore>, window_params = [{transform_indices = #map}, {transform_indices = #map1}, {transform_indices = #map1}, {transform_indices = #map1}, {transform_indices = #map1}]} {
    %lt3A = arith.constant 4 : i32
    %lt3A_0 = arith.cmpi slt, %arg1, %lt3A : i32
    %convert_element_type3A = arith.extui %lt3A_0 : i1 to i32
    %cond3A = arith.constant 0 : i32
    %cond3A_1 = arith.cmpi ne, %convert_element_type3A, %cond3A : i32
    scf.if %cond3A_1 {
      %mul3A = arith.constant 16 : i32
      %mul3A_2 = arith.muli %arg1, %mul3A : i32
      "tpu.region"() ({
        %run_scoped3A = tpu.sem_alloc : memref<!tpu.dma_semaphore, #tpu.memory_space<semaphore_mem>>
        %dma_start3A_671 = tpu.memref_slice %arg3[%mul3A_2] : memref<64xi32, #tpu.memory_space<hbm>> -> memref<16xi32, #tpu.memory_space<hbm>>
        %dma_start3A_672 = tpu.memref_slice %arg3[%mul3A_2] : memref<64xi32, #tpu.memory_space<hbm>> -> memref<16xi32, #tpu.memory_space<hbm>>
        tpu.enqueue_dma source(%dma_start3A_672 : memref<16xi32, #tpu.memory_space<hbm>>) target(%arg7 : memref<16xi32, #tpu.memory_space<vmem>>) target_semaphore(%run_scoped3A : memref<!tpu.dma_semaphore, #tpu.memory_space<semaphore_mem>>)
        %dma_wait3A_673 = tpu.memref_slice %arg3[%mul3A_2] : memref<64xi32, #tpu.memory_space<hbm>> -> memref<16xi32, #tpu.memory_space<hbm>>
        %dma_wait3A_674 = tpu.memref_slice %arg3[%mul3A_2] : memref<64xi32, #tpu.memory_space<hbm>> -> memref<16xi32, #tpu.memory_space<hbm>>
        tpu.wait_dma2 semaphore(%run_scoped3A : memref<!tpu.dma_semaphore, #tpu.memory_space<semaphore_mem>>) src(%dma_wait3A_674 : memref<16xi32, #tpu.memory_space<hbm>>) dst(%arg7 : memref<16xi32, #tpu.memory_space<vmem>>)
        tpu.yield
      }) : () -> ()
      "tpu.region"() ({
        %run_scoped3A = tpu.sem_alloc : memref<!tpu.dma_semaphore, #tpu.memory_space<semaphore_mem>>
        %dma_start3A_671 = tpu.memref_slice %arg4[%mul3A_2] : memref<64xi32, #tpu.memory_space<hbm>> -> memref<16xi32, #tpu.memory_space<hbm>>
        %dma_start3A_672 = tpu.memref_slice %arg4[%mul3A_2] : memref<64xi32, #tpu.memory_space<hbm>> -> memref<16xi32, #tpu.memory_space<hbm>>
        tpu.enqueue_dma source(%dma_start3A_672 : memref<16xi32, #tpu.memory_space<hbm>>) target(%arg8 : memref<16xi32, #tpu.memory_space<vmem>>) target_semaphore(%run_scoped3A : memref<!tpu.dma_semaphore, #tpu.memory_space<semaphore_mem>>)
        %dma_wait3A_673 = tpu.memref_slice %arg4[%mul3A_2] : memref<64xi32, #tpu.memory_space<hbm>> -> memref<16xi32, #tpu.memory_space<hbm>>
        %dma_wait3A_674 = tpu.memref_slice %arg4[%mul3A_2] : memref<64xi32, #tpu.memory_space<hbm>> -> memref<16xi32, #tpu.memory_space<hbm>>
        tpu.wait_dma2 semaphore(%run_scoped3A : memref<!tpu.dma_semaphore, #tpu.memory_space<semaphore_mem>>) src(%dma_wait3A_674 : memref<16xi32, #tpu.memory_space<hbm>>) dst(%arg8 : memref<16xi32, #tpu.memory_space<vmem>>)
        tpu.yield
      }) : () -> ()
      "tpu.region"() ({
        %run_scoped3A = tpu.sem_alloc : memref<!tpu.dma_semaphore, #tpu.memory_space<semaphore_mem>>
        %dma_start3A_671 = tpu.memref_slice %arg5[%mul3A_2] : memref<64xi32, #tpu.memory_space<hbm>> -> memref<16xi32, #tpu.memory_space<hbm>>
        %dma_start3A_672 = tpu.memref_slice %arg5[%mul3A_2] : memref<64xi32, #tpu.memory_space<hbm>> -> memref<16xi32, #tpu.memory_space<hbm>>
        tpu.enqueue_dma source(%dma_start3A_672 : memref<16xi32, #tpu.memory_space<hbm>>) target(%arg9 : memref<16xi32, #tpu.memory_space<vmem>>) target_semaphore(%run_scoped3A : memref<!tpu.dma_semaphore, #tpu.memory_space<semaphore_mem>>)
        %dma_wait3A_673 = tpu.memref_slice %arg5[%mul3A_2] : memref<64xi32, #tpu.memory_space<hbm>> -> memref<16xi32, #tpu.memory_space<hbm>>
        %dma_wait3A_674 = tpu.memref_slice %arg5[%mul3A_2] : memref<64xi32, #tpu.memory_space<hbm>> -> memref<16xi32, #tpu.memory_space<hbm>>
        tpu.wait_dma2 semaphore(%run_scoped3A : memref<!tpu.dma_semaphore, #tpu.memory_space<semaphore_mem>>) src(%dma_wait3A_674 : memref<16xi32, #tpu.memory_space<hbm>>) dst(%arg9 : memref<16xi32, #tpu.memory_space<vmem>>)
        tpu.yield
      }) : () -> ()
      %get3A = arith.constant 0 : index
      %get3A_3 = tpu.vector_load %arg7[%get3A] {strides = array<i32>} : memref<16xi32, #tpu.memory_space<vmem>>, vector<16xi32>,
      %get3A_4 = vector.shape_cast %get3A_3 : vector<16xi32> to vector<16xi32>
      %mul3A_5 = arith.constant 2048 : i32
      %mul3A_6 = vector.broadcast %mul3A_5 : i32 to vector<16xi32>
      %mul3A_7 = arith.muli %get3A_4, %mul3A_6 : vector<16xi32>
      %get3A_8 = arith.constant 0 : index
      %get3A_9 = tpu.vector_load %arg8[%get3A_8] {strides = array<i32>} : memref<16xi32, #tpu.memory_space<vmem>>, vector<16xi32>,
      %get3A_10 = vector.shape_cast %get3A_9 : vector<16xi32> to vector<16xi32>
      %add3A = arith.addi %mul3A_7, %get3A_10 : vector<16xi32>
      %get3A_11 = arith.constant 0 : index
      %get3A_12 = tpu.vector_load %arg9[%get3A_11] {strides = array<i32>} : memref<16xi32, #tpu.memory_space<vmem>>, vector<16xi32>,
      %get3A_13 = vector.shape_cast %get3A_12 : vector<16xi32> to vector<16xi32>
      %and3A = arith.constant -16 : i32
      %and3A_14 = vector.broadcast %and3A : i32 to vector<16xi32>
      %and3A_15 = arith.andi %get3A_13, %and3A_14 : vector<16xi32>
      %and3A_16 = arith.constant 15 : i32
      %and3A_17 = vector.broadcast %and3A_16 : i32 to vector<16xi32>
      %and3A_18 = arith.andi %get3A_13, %and3A_17 : vector<16xi32>
      %slice3A = vector.extract_strided_slice %and3A_15 {offsets = [0], sizes = [1], strides = [1]} : vector<16xi32> to vector<1xi32>
      %squeeze3A = vector.extract %slice3A[0] : i32 from vector<1xi32>
      %multiple_of3A = tpu.assume_multiple %squeeze3A, 16 : i32
      %slice3A_19 = vector.extract_strided_slice %add3A {offsets = [0], sizes = [1], strides = [1]} : vector<16xi32> to vector<1xi32>
      %squeeze3A_20 = vector.extract %slice3A_19[0] : i32 from vector<1xi32>
      %slice3A_21 = vector.extract_strided_slice %and3A_15 {offsets = [1], sizes = [1], strides = [1]} : vector<16xi32> to vector<1xi32>
      %squeeze3A_22 = vector.extract %slice3A_21[0] : i32 from vector<1xi32>
      %multiple_of3A_23 = tpu.assume_multiple %squeeze3A_22, 16 : i32
      %slice3A_24 = vector.extract_strided_slice %add3A {offsets = [1], sizes = [1], strides = [1]} : vector<16xi32> to vector<1xi32>
      %squeeze3A_25 = vector.extract %slice3A_24[0] : i32 from vector<1xi32>
      %slice3A_26 = vector.extract_strided_slice %and3A_15 {offsets = [2], sizes = [1], strides = [1]} : vector<16xi32> to vector<1xi32>
      %squeeze3A_27 = vector.extract %slice3A_26[0] : i32 from vector<1xi32>
      %multiple_of3A_28 = tpu.assume_multiple %squeeze3A_27, 16 : i32
      %slice3A_29 = vector.extract_strided_slice %add3A {offsets = [2], sizes = [1], strides = [1]} : vector<16xi32> to vector<1xi32>
      %squeeze3A_30 = vector.extract %slice3A_29[0] : i32 from vector<1xi32>
      %slice3A_31 = vector.extract_strided_slice %and3A_15 {offsets = [3], sizes = [1], strides = [1]} : vector<16xi32> to vector<1xi32>
      %squeeze3A_32 = vector.extract %slice3A_31[0] : i32 from vector<1xi32>
      %multiple_of3A_33 = tpu.assume_multiple %squeeze3A_32, 16 : i32
      %slice3A_34 = vector.extract_strided_slice %add3A {offsets = [3], sizes = [1], strides = [1]} : vector<16xi32> to vector<1xi32>
      %squeeze3A_35 = vector.extract %slice3A_34[0] : i32 from vector<1xi32>
      %slice3A_36 = vector.extract_strided_slice %and3A_15 {offsets = [4], sizes = [1], strides = [1]} : vector<16xi32> to vector<1xi32>
      %squeeze3A_37 = vector.extract %slice3A_36[0] : i32 from vector<1xi32>
      %multiple_of3A_38 = tpu.assume_multiple %squeeze3A_37, 16 : i32
      %slice3A_39 = vector.extract_strided_slice %add3A {offsets = [4], sizes = [1], strides = [1]} : vector<16xi32> to vector<1xi32>
      %squeeze3A_40 = vector.extract %slice3A_39[0] : i32 from vector<1xi32>
      %slice3A_41 = vector.extract_strided_slice %and3A_15 {offsets = [5], sizes = [1], strides = [1]} : vector<16xi32> to vector<1xi32>
      %squeeze3A_42 = vector.extract %slice3A_41[0] : i32 from vector<1xi32>
      %multiple_of3A_43 = tpu.assume_multiple %squeeze3A_42, 16 : i32
      %slice3A_44 = vector.extract_strided_slice %add3A {offsets = [5], sizes = [1], strides = [1]} : vector<16xi32> to vector<1xi32>
      %squeeze3A_45 = vector.extract %slice3A_44[0] : i32 from vector<1xi32>
      %slice3A_46 = vector.extract_strided_slice %and3A_15 {offsets = [6], sizes = [1], strides = [1]} : vector<16xi32> to vector<1xi32>
      %squeeze3A_47 = vector.extract %slice3A_46[0] : i32 from vector<1xi32>
      %multiple_of3A_48 = tpu.assume_multiple %squeeze3A_47, 16 : i32
      %slice3A_49 = vector.extract_strided_slice %add3A {offsets = [6], sizes = [1], strides = [1]} : vector<16xi32> to vector<1xi32>
      %squeeze3A_50 = vector.extract %slice3A_49[0] : i32 from vector<1xi32>
      %slice3A_51 = vector.extract_strided_slice %and3A_15 {offsets = [7], sizes = [1], strides = [1]} : vector<16xi32> to vector<1xi32>
      %squeeze3A_52 = vector.extract %slice3A_51[0] : i32 from vector<1xi32>
      %multiple_of3A_53 = tpu.assume_multiple %squeeze3A_52, 16 : i32
      %slice3A_54 = vector.extract_strided_slice %add3A {offsets = [7], sizes = [1], strides = [1]} : vector<16xi32> to vector<1xi32>
      %squeeze3A_55 = vector.extract %slice3A_54[0] : i32 from vector<1xi32>
      %slice3A_56 = vector.extract_strided_slice %and3A_15 {offsets = [8], sizes = [1], strides = [1]} : vector<16xi32> to vector<1xi32>
      %squeeze3A_57 = vector.extract %slice3A_56[0] : i32 from vector<1xi32>
      %multiple_of3A_58 = tpu.assume_multiple %squeeze3A_57, 16 : i32
      %slice3A_59 = vector.extract_strided_slice %add3A {offsets = [8], sizes = [1], strides = [1]} : vector<16xi32> to vector<1xi32>
      %squeeze3A_60 = vector.extract %slice3A_59[0] : i32 from vector<1xi32>
      %slice3A_61 = vector.extract_strided_slice %and3A_15 {offsets = [9], sizes = [1], strides = [1]} : vector<16xi32> to vector<1xi32>
      %squeeze3A_62 = vector.extract %slice3A_61[0] : i32 from vector<1xi32>
      %multiple_of3A_63 = tpu.assume_multiple %squeeze3A_62, 16 : i32
      %slice3A_64 = vector.extract_strided_slice %add3A {offsets = [9], sizes = [1], strides = [1]} : vector<16xi32> to vector<1xi32>
      %squeeze3A_65 = vector.extract %slice3A_64[0] : i32 from vector<1xi32>
      %slice3A_66 = vector.extract_strided_slice %and3A_15 {offsets = [10], sizes = [1], strides = [1]} : vector<16xi32> to vector<1xi32>
      %squeeze3A_67 = vector.extract %slice3A_66[0] : i32 from vector<1xi32>
      %multiple_of3A_68 = tpu.assume_multiple %squeeze3A_67, 16 : i32
      %slice3A_69 = vector.extract_strided_slice %add3A {offsets = [10], sizes = [1], strides = [1]} : vector<16xi32> to vector<1xi32>
      %squeeze3A_70 = vector.extract %slice3A_69[0] : i32 from vector<1xi32>
      %slice3A_71 = vector.extract_strided_slice %and3A_15 {offsets = [11], sizes = [1], strides = [1]} : vector<16xi32> to vector<1xi32>
      %squeeze3A_72 = vector.extract %slice3A_71[0] : i32 from vector<1xi32>
      %multiple_of3A_73 = tpu.assume_multiple %squeeze3A_72, 16 : i32
      %slice3A_74 = vector.extract_strided_slice %add3A {offsets = [11], sizes = [1], strides = [1]} : vector<16xi32> to vector<1xi32>
      %squeeze3A_75 = vector.extract %slice3A_74[0] : i32 from vector<1xi32>
      %slice3A_76 = vector.extract_strided_slice %and3A_15 {offsets = [12], sizes = [1], strides = [1]} : vector<16xi32> to vector<1xi32>
      %squeeze3A_77 = vector.extract %slice3A_76[0] : i32 from vector<1xi32>
      %multiple_of3A_78 = tpu.assume_multiple %squeeze3A_77, 16 : i32
      %slice3A_79 = vector.extract_strided_slice %add3A {offsets = [12], sizes = [1], strides = [1]} : vector<16xi32> to vector<1xi32>
      %squeeze3A_80 = vector.extract %slice3A_79[0] : i32 from vector<1xi32>
      %slice3A_81 = vector.extract_strided_slice %and3A_15 {offsets = [13], sizes = [1], strides = [1]} : vector<16xi32> to vector<1xi32>
      %squeeze3A_82 = vector.extract %slice3A_81[0] : i32 from vector<1xi32>
      %multiple_of3A_83 = tpu.assume_multiple %squeeze3A_82, 16 : i32
      %slice3A_84 = vector.extract_strided_slice %add3A {offsets = [13], sizes = [1], strides = [1]} : vector<16xi32> to vector<1xi32>
      %squeeze3A_85 = vector.extract %slice3A_84[0] : i32 from vector<1xi32>
      %slice3A_86 = vector.extract_strided_slice %and3A_15 {offsets = [14], sizes = [1], strides = [1]} : vector<16xi32> to vector<1xi32>
      %squeeze3A_87 = vector.extract %slice3A_86[0] : i32 from vector<1xi32>
      %multiple_of3A_88 = tpu.assume_multiple %squeeze3A_87, 16 : i32
      %slice3A_89 = vector.extract_strided_slice %add3A {offsets = [14], sizes = [1], strides = [1]} : vector<16xi32> to vector<1xi32>
      %squeeze3A_90 = vector.extract %slice3A_89[0] : i32 from vector<1xi32>
      %slice3A_91 = vector.extract_strided_slice %and3A_15 {offsets = [15], sizes = [1], strides = [1]} : vector<16xi32> to vector<1xi32>
      %squeeze3A_92 = vector.extract %slice3A_91[0] : i32 from vector<1xi32>
      %multiple_of3A_93 = tpu.assume_multiple %squeeze3A_92, 16 : i32
      %slice3A_94 = vector.extract_strided_slice %add3A {offsets = [15], sizes = [1], strides = [1]} : vector<16xi32> to vector<1xi32>
      %squeeze3A_95 = vector.extract %slice3A_94[0] : i32 from vector<1xi32>
      %dma_start3A = arith.constant 0 : i32
      %dma_start3A_96 = tpu.memref_slice %arg10[%dma_start3A] : memref<256xf32, #tpu.memory_space<vmem>> -> memref<16xf32, #tpu.memory_space<vmem>>
      %dma_start3A_97 = tpu.memref_slice %arg2[%squeeze3A_20, %multiple_of3A] : memref<16384x2048xf32, #tpu.memory_space<hbm>> -> memref<1x16xf32, #tpu.memory_space<hbm>>
      %dma_start3A_98 = tpu.memref_squeeze %dma_start3A_97 : memref<1x16xf32, #tpu.memory_space<hbm>> -> memref<16xf32, #tpu.memory_space<hbm>>
      %dma_start3A_99 = arith.constant 0 : i32
      %dma_start3A_100 = tpu.memref_slice %arg10[%dma_start3A_99] : memref<256xf32, #tpu.memory_space<vmem>> -> memref<16xf32, #tpu.memory_space<vmem>>
      %dma_start3A_101 = tpu.memref_slice %arg2[%squeeze3A_20, %multiple_of3A] : memref<16384x2048xf32, #tpu.memory_space<hbm>> -> memref<1x16xf32, #tpu.memory_space<hbm>>
      %dma_start3A_102 = tpu.memref_squeeze %dma_start3A_101 : memref<1x16xf32, #tpu.memory_space<hbm>> -> memref<16xf32, #tpu.memory_space<hbm>>
      tpu.enqueue_dma source(%dma_start3A_102 : memref<16xf32, #tpu.memory_space<hbm>>) target(%dma_start3A_100 : memref<16xf32, #tpu.memory_space<vmem>>) target_semaphore(%arg12 : memref<!tpu.dma_semaphore, #tpu.memory_space<semaphore_mem>>)
      %dma_start3A_103 = arith.constant 16 : i32
      %dma_start3A_104 = tpu.memref_slice %arg10[%dma_start3A_103] : memref<256xf32, #tpu.memory_space<vmem>> -> memref<16xf32, #tpu.memory_space<vmem>>
      %dma_start3A_105 = tpu.memref_slice %arg2[%squeeze3A_25, %multiple_of3A_23] : memref<16384x2048xf32, #tpu.memory_space<hbm>> -> memref<1x16xf32, #tpu.memory_space<hbm>>
      %dma_start3A_106 = tpu.memref_squeeze %dma_start3A_105 : memref<1x16xf32, #tpu.memory_space<hbm>> -> memref<16xf32, #tpu.memory_space<hbm>>
      %dma_start3A_107 = arith.constant 16 : i32
      %dma_start3A_108 = tpu.memref_slice %arg10[%dma_start3A_107] : memref<256xf32, #tpu.memory_space<vmem>> -> memref<16xf32, #tpu.memory_space<vmem>>
      %dma_start3A_109 = tpu.memref_slice %arg2[%squeeze3A_25, %multiple_of3A_23] : memref<16384x2048xf32, #tpu.memory_space<hbm>> -> memref<1x16xf32, #tpu.memory_space<hbm>>
      %dma_start3A_110 = tpu.memref_squeeze %dma_start3A_109 : memref<1x16xf32, #tpu.memory_space<hbm>> -> memref<16xf32, #tpu.memory_space<hbm>>
      tpu.enqueue_dma source(%dma_start3A_110 : memref<16xf32, #tpu.memory_space<hbm>>) target(%dma_start3A_108 : memref<16xf32, #tpu.memory_space<vmem>>) target_semaphore(%arg12 : memref<!tpu.dma_semaphore, #tpu.memory_space<semaphore_mem>>)
      %dma_start3A_111 = arith.constant 32 : i32
      %dma_start3A_112 = tpu.memref_slice %arg10[%dma_start3A_111] : memref<256xf32, #tpu.memory_space<vmem>> -> memref<16xf32, #tpu.memory_space<vmem>>
      %dma_start3A_113 = tpu.memref_slice %arg2[%squeeze3A_30, %multiple_of3A_28] : memref<16384x2048xf32, #tpu.memory_space<hbm>> -> memref<1x16xf32, #tpu.memory_space<hbm>>
      %dma_start3A_114 = tpu.memref_squeeze %dma_start3A_113 : memref<1x16xf32, #tpu.memory_space<hbm>> -> memref<16xf32, #tpu.memory_space<hbm>>
      %dma_start3A_115 = arith.constant 32 : i32
      %dma_start3A_116 = tpu.memref_slice %arg10[%dma_start3A_115] : memref<256xf32, #tpu.memory_space<vmem>> -> memref<16xf32, #tpu.memory_space<vmem>>
      %dma_start3A_117 = tpu.memref_slice %arg2[%squeeze3A_30, %multiple_of3A_28] : memref<16384x2048xf32, #tpu.memory_space<hbm>> -> memref<1x16xf32, #tpu.memory_space<hbm>>
      %dma_start3A_118 = tpu.memref_squeeze %dma_start3A_117 : memref<1x16xf32, #tpu.memory_space<hbm>> -> memref<16xf32, #tpu.memory_space<hbm>>
      tpu.enqueue_dma source(%dma_start3A_118 : memref<16xf32, #tpu.memory_space<hbm>>) target(%dma_start3A_116 : memref<16xf32, #tpu.memory_space<vmem>>) target_semaphore(%arg12 : memref<!tpu.dma_semaphore, #tpu.memory_space<semaphore_mem>>)
      %dma_start3A_119 = arith.constant 48 : i32
      %dma_start3A_120 = tpu.memref_slice %arg10[%dma_start3A_119] : memref<256xf32, #tpu.memory_space<vmem>> -> memref<16xf32, #tpu.memory_space<vmem>>
      %dma_start3A_121 = tpu.memref_slice %arg2[%squeeze3A_35, %multiple_of3A_33] : memref<16384x2048xf32, #tpu.memory_space<hbm>> -> memref<1x16xf32, #tpu.memory_space<hbm>>
      %dma_start3A_122 = tpu.memref_squeeze %dma_start3A_121 : memref<1x16xf32, #tpu.memory_space<hbm>> -> memref<16xf32, #tpu.memory_space<hbm>>
      %dma_start3A_123 = arith.constant 48 : i32
      %dma_start3A_124 = tpu.memref_slice %arg10[%dma_start3A_123] : memref<256xf32, #tpu.memory_space<vmem>> -> memref<16xf32, #tpu.memory_space<vmem>>
      %dma_start3A_125 = tpu.memref_slice %arg2[%squeeze3A_35, %multiple_of3A_33] : memref<16384x2048xf32, #tpu.memory_space<hbm>> -> memref<1x16xf32, #tpu.memory_space<hbm>>
      %dma_start3A_126 = tpu.memref_squeeze %dma_start3A_125 : memref<1x16xf32, #tpu.memory_space<hbm>> -> memref<16xf32, #tpu.memory_space<hbm>>
      tpu.enqueue_dma source(%dma_start3A_126 : memref<16xf32, #tpu.memory_space<hbm>>) target(%dma_start3A_124 : memref<16xf32, #tpu.memory_space<vmem>>) target_semaphore(%arg12 : memref<!tpu.dma_semaphore, #tpu.memory_space<semaphore_mem>>)
      %dma_start3A_127 = arith.constant 64 : i32
      %dma_start3A_128 = tpu.memref_slice %arg10[%dma_start3A_127] : memref<256xf32, #tpu.memory_space<vmem>> -> memref<16xf32, #tpu.memory_space<vmem>>
      %dma_start3A_129 = tpu.memref_slice %arg2[%squeeze3A_40, %multiple_of3A_38] : memref<16384x2048xf32, #tpu.memory_space<hbm>> -> memref<1x16xf32, #tpu.memory_space<hbm>>
      %dma_start3A_130 = tpu.memref_squeeze %dma_start3A_129 : memref<1x16xf32, #tpu.memory_space<hbm>> -> memref<16xf32, #tpu.memory_space<hbm>>
      %dma_start3A_131 = arith.constant 64 : i32
      %dma_start3A_132 = tpu.memref_slice %arg10[%dma_start3A_131] : memref<256xf32, #tpu.memory_space<vmem>> -> memref<16xf32, #tpu.memory_space<vmem>>
      %dma_start3A_133 = tpu.memref_slice %arg2[%squeeze3A_40, %multiple_of3A_38] : memref<16384x2048xf32, #tpu.memory_space<hbm>> -> memref<1x16xf32, #tpu.memory_space<hbm>>
      %dma_start3A_134 = tpu.memref_squeeze %dma_start3A_133 : memref<1x16xf32, #tpu.memory_space<hbm>> -> memref<16xf32, #tpu.memory_space<hbm>>
      tpu.enqueue_dma source(%dma_start3A_134 : memref<16xf32, #tpu.memory_space<hbm>>) target(%dma_start3A_132 : memref<16xf32, #tpu.memory_space<vmem>>) target_semaphore(%arg12 : memref<!tpu.dma_semaphore, #tpu.memory_space<semaphore_mem>>)
      %dma_start3A_135 = arith.constant 80 : i32
      %dma_start3A_136 = tpu.memref_slice %arg10[%dma_start3A_135] : memref<256xf32, #tpu.memory_space<vmem>> -> memref<16xf32, #tpu.memory_space<vmem>>
      %dma_start3A_137 = tpu.memref_slice %arg2[%squeeze3A_45, %multiple_of3A_43] : memref<16384x2048xf32, #tpu.memory_space<hbm>> -> memref<1x16xf32, #tpu.memory_space<hbm>>
      %dma_start3A_138 = tpu.memref_squeeze %dma_start3A_137 : memref<1x16xf32, #tpu.memory_space<hbm>> -> memref<16xf32, #tpu.memory_space<hbm>>
      %dma_start3A_139 = arith.constant 80 : i32
      %dma_start3A_140 = tpu.memref_slice %arg10[%dma_start3A_139] : memref<256xf32, #tpu.memory_space<vmem>> -> memref<16xf32, #tpu.memory_space<vmem>>
      %dma_start3A_141 = tpu.memref_slice %arg2[%squeeze3A_45, %multiple_of3A_43] : memref<16384x2048xf32, #tpu.memory_space<hbm>> -> memref<1x16xf32, #tpu.memory_space<hbm>>
      %dma_start3A_142 = tpu.memref_squeeze %dma_start3A_141 : memref<1x16xf32, #tpu.memory_space<hbm>> -> memref<16xf32, #tpu.memory_space<hbm>>
      tpu.enqueue_dma source(%dma_start3A_142 : memref<16xf32, #tpu.memory_space<hbm>>) target(%dma_start3A_140 : memref<16xf32, #tpu.memory_space<vmem>>) target_semaphore(%arg12 : memref<!tpu.dma_semaphore, #tpu.memory_space<semaphore_mem>>)
      %dma_start3A_143 = arith.constant 96 : i32
      %dma_start3A_144 = tpu.memref_slice %arg10[%dma_start3A_143] : memref<256xf32, #tpu.memory_space<vmem>> -> memref<16xf32, #tpu.memory_space<vmem>>
      %dma_start3A_145 = tpu.memref_slice %arg2[%squeeze3A_50, %multiple_of3A_48] : memref<16384x2048xf32, #tpu.memory_space<hbm>> -> memref<1x16xf32, #tpu.memory_space<hbm>>
      %dma_start3A_146 = tpu.memref_squeeze %dma_start3A_145 : memref<1x16xf32, #tpu.memory_space<hbm>> -> memref<16xf32, #tpu.memory_space<hbm>>
      %dma_start3A_147 = arith.constant 96 : i32
      %dma_start3A_148 = tpu.memref_slice %arg10[%dma_start3A_147] : memref<256xf32, #tpu.memory_space<vmem>> -> memref<16xf32, #tpu.memory_space<vmem>>
      %dma_start3A_149 = tpu.memref_slice %arg2[%squeeze3A_50, %multiple_of3A_48] : memref<16384x2048xf32, #tpu.memory_space<hbm>> -> memref<1x16xf32, #tpu.memory_space<hbm>>
      %dma_start3A_150 = tpu.memref_squeeze %dma_start3A_149 : memref<1x16xf32, #tpu.memory_space<hbm>> -> memref<16xf32, #tpu.memory_space<hbm>>
      tpu.enqueue_dma source(%dma_start3A_150 : memref<16xf32, #tpu.memory_space<hbm>>) target(%dma_start3A_148 : memref<16xf32, #tpu.memory_space<vmem>>) target_semaphore(%arg12 : memref<!tpu.dma_semaphore, #tpu.memory_space<semaphore_mem>>)
      %dma_start3A_151 = arith.constant 112 : i32
      %dma_start3A_152 = tpu.memref_slice %arg10[%dma_start3A_151] : memref<256xf32, #tpu.memory_space<vmem>> -> memref<16xf32, #tpu.memory_space<vmem>>
      %dma_start3A_153 = tpu.memref_slice %arg2[%squeeze3A_55, %multiple_of3A_53] : memref<16384x2048xf32, #tpu.memory_space<hbm>> -> memref<1x16xf32, #tpu.memory_space<hbm>>
      %dma_start3A_154 = tpu.memref_squeeze %dma_start3A_153 : memref<1x16xf32, #tpu.memory_space<hbm>> -> memref<16xf32, #tpu.memory_space<hbm>>
      %dma_start3A_155 = arith.constant 112 : i32
      %dma_start3A_156 = tpu.memref_slice %arg10[%dma_start3A_155] : memref<256xf32, #tpu.memory_space<vmem>> -> memref<16xf32, #tpu.memory_space<vmem>>
      %dma_start3A_157 = tpu.memref_slice %arg2[%squeeze3A_55, %multiple_of3A_53] : memref<16384x2048xf32, #tpu.memory_space<hbm>> -> memref<1x16xf32, #tpu.memory_space<hbm>>
      %dma_start3A_158 = tpu.memref_squeeze %dma_start3A_157 : memref<1x16xf32, #tpu.memory_space<hbm>> -> memref<16xf32, #tpu.memory_space<hbm>>
      tpu.enqueue_dma source(%dma_start3A_158 : memref<16xf32, #tpu.memory_space<hbm>>) target(%dma_start3A_156 : memref<16xf32, #tpu.memory_space<vmem>>) target_semaphore(%arg12 : memref<!tpu.dma_semaphore, #tpu.memory_space<semaphore_mem>>)
      %dma_start3A_159 = arith.constant 128 : i32
      %dma_start3A_160 = tpu.memref_slice %arg10[%dma_start3A_159] : memref<256xf32, #tpu.memory_space<vmem>> -> memref<16xf32, #tpu.memory_space<vmem>>
      %dma_start3A_161 = tpu.memref_slice %arg2[%squeeze3A_60, %multiple_of3A_58] : memref<16384x2048xf32, #tpu.memory_space<hbm>> -> memref<1x16xf32, #tpu.memory_space<hbm>>
      %dma_start3A_162 = tpu.memref_squeeze %dma_start3A_161 : memref<1x16xf32, #tpu.memory_space<hbm>> -> memref<16xf32, #tpu.memory_space<hbm>>
      %dma_start3A_163 = arith.constant 128 : i32
      %dma_start3A_164 = tpu.memref_slice %arg10[%dma_start3A_163] : memref<256xf32, #tpu.memory_space<vmem>> -> memref<16xf32, #tpu.memory_space<vmem>>
      %dma_start3A_165 = tpu.memref_slice %arg2[%squeeze3A_60, %multiple_of3A_58] : memref<16384x2048xf32, #tpu.memory_space<hbm>> -> memref<1x16xf32, #tpu.memory_space<hbm>>
      %dma_start3A_166 = tpu.memref_squeeze %dma_start3A_165 : memref<1x16xf32, #tpu.memory_space<hbm>> -> memref<16xf32, #tpu.memory_space<hbm>>
      tpu.enqueue_dma source(%dma_start3A_166 : memref<16xf32, #tpu.memory_space<hbm>>) target(%dma_start3A_164 : memref<16xf32, #tpu.memory_space<vmem>>) target_semaphore(%arg12 : memref<!tpu.dma_semaphore, #tpu.memory_space<semaphore_mem>>)
      %dma_start3A_167 = arith.constant 144 : i32
      %dma_start3A_168 = tpu.memref_slice %arg10[%dma_start3A_167] : memref<256xf32, #tpu.memory_space<vmem>> -> memref<16xf32, #tpu.memory_space<vmem>>
      %dma_start3A_169 = tpu.memref_slice %arg2[%squeeze3A_65, %multiple_of3A_63] : memref<16384x2048xf32, #tpu.memory_space<hbm>> -> memref<1x16xf32, #tpu.memory_space<hbm>>
      %dma_start3A_170 = tpu.memref_squeeze %dma_start3A_169 : memref<1x16xf32, #tpu.memory_space<hbm>> -> memref<16xf32, #tpu.memory_space<hbm>>
      %dma_start3A_171 = arith.constant 144 : i32
      %dma_start3A_172 = tpu.memref_slice %arg10[%dma_start3A_171] : memref<256xf32, #tpu.memory_space<vmem>> -> memref<16xf32, #tpu.memory_space<vmem>>
      %dma_start3A_173 = tpu.memref_slice %arg2[%squeeze3A_65, %multiple_of3A_63] : memref<16384x2048xf32, #tpu.memory_space<hbm>> -> memref<1x16xf32, #tpu.memory_space<hbm>>
      %dma_start3A_174 = tpu.memref_squeeze %dma_start3A_173 : memref<1x16xf32, #tpu.memory_space<hbm>> -> memref<16xf32, #tpu.memory_space<hbm>>
      tpu.enqueue_dma source(%dma_start3A_174 : memref<16xf32, #tpu.memory_space<hbm>>) target(%dma_start3A_172 : memref<16xf32, #tpu.memory_space<vmem>>) target_semaphore(%arg12 : memref<!tpu.dma_semaphore, #tpu.memory_space<semaphore_mem>>)
      %dma_start3A_175 = arith.constant 160 : i32
      %dma_start3A_176 = tpu.memref_slice %arg10[%dma_start3A_175] : memref<256xf32, #tpu.memory_space<vmem>> -> memref<16xf32, #tpu.memory_space<vmem>>
      %dma_start3A_177 = tpu.memref_slice %arg2[%squeeze3A_70, %multiple_of3A_68] : memref<16384x2048xf32, #tpu.memory_space<hbm>> -> memref<1x16xf32, #tpu.memory_space<hbm>>
      %dma_start3A_178 = tpu.memref_squeeze %dma_start3A_177 : memref<1x16xf32, #tpu.memory_space<hbm>> -> memref<16xf32, #tpu.memory_space<hbm>>
      %dma_start3A_179 = arith.constant 160 : i32
      %dma_start3A_180 = tpu.memref_slice %arg10[%dma_start3A_179] : memref<256xf32, #tpu.memory_space<vmem>> -> memref<16xf32, #tpu.memory_space<vmem>>
      %dma_start3A_181 = tpu.memref_slice %arg2[%squeeze3A_70, %multiple_of3A_68] : memref<16384x2048xf32, #tpu.memory_space<hbm>> -> memref<1x16xf32, #tpu.memory_space<hbm>>
      %dma_start3A_182 = tpu.memref_squeeze %dma_start3A_181 : memref<1x16xf32, #tpu.memory_space<hbm>> -> memref<16xf32, #tpu.memory_space<hbm>>
      tpu.enqueue_dma source(%dma_start3A_182 : memref<16xf32, #tpu.memory_space<hbm>>) target(%dma_start3A_180 : memref<16xf32, #tpu.memory_space<vmem>>) target_semaphore(%arg12 : memref<!tpu.dma_semaphore, #tpu.memory_space<semaphore_mem>>)
      %dma_start3A_183 = arith.constant 176 : i32
      %dma_start3A_184 = tpu.memref_slice %arg10[%dma_start3A_183] : memref<256xf32, #tpu.memory_space<vmem>> -> memref<16xf32, #tpu.memory_space<vmem>>
      %dma_start3A_185 = tpu.memref_slice %arg2[%squeeze3A_75, %multiple_of3A_73] : memref<16384x2048xf32, #tpu.memory_space<hbm>> -> memref<1x16xf32, #tpu.memory_space<hbm>>
      %dma_start3A_186 = tpu.memref_squeeze %dma_start3A_185 : memref<1x16xf32, #tpu.memory_space<hbm>> -> memref<16xf32, #tpu.memory_space<hbm>>
      %dma_start3A_187 = arith.constant 176 : i32
      %dma_start3A_188 = tpu.memref_slice %arg10[%dma_start3A_187] : memref<256xf32, #tpu.memory_space<vmem>> -> memref<16xf32, #tpu.memory_space<vmem>>
      %dma_start3A_189 = tpu.memref_slice %arg2[%squeeze3A_75, %multiple_of3A_73] : memref<16384x2048xf32, #tpu.memory_space<hbm>> -> memref<1x16xf32, #tpu.memory_space<hbm>>
      %dma_start3A_190 = tpu.memref_squeeze %dma_start3A_189 : memref<1x16xf32, #tpu.memory_space<hbm>> -> memref<16xf32, #tpu.memory_space<hbm>>
      tpu.enqueue_dma source(%dma_start3A_190 : memref<16xf32, #tpu.memory_space<hbm>>) target(%dma_start3A_188 : memref<16xf32, #tpu.memory_space<vmem>>) target_semaphore(%arg12 : memref<!tpu.dma_semaphore, #tpu.memory_space<semaphore_mem>>)
      %dma_start3A_191 = arith.constant 192 : i32
      %dma_start3A_192 = tpu.memref_slice %arg10[%dma_start3A_191] : memref<256xf32, #tpu.memory_space<vmem>> -> memref<16xf32, #tpu.memory_space<vmem>>
      %dma_start3A_193 = tpu.memref_slice %arg2[%squeeze3A_80, %multiple_of3A_78] : memref<16384x2048xf32, #tpu.memory_space<hbm>> -> memref<1x16xf32, #tpu.memory_space<hbm>>
      %dma_start3A_194 = tpu.memref_squeeze %dma_start3A_193 : memref<1x16xf32, #tpu.memory_space<hbm>> -> memref<16xf32, #tpu.memory_space<hbm>>
      %dma_start3A_195 = arith.constant 192 : i32
      %dma_start3A_196 = tpu.memref_slice %arg10[%dma_start3A_195] : memref<256xf32, #tpu.memory_space<vmem>> -> memref<16xf32, #tpu.memory_space<vmem>>
      %dma_start3A_197 = tpu.memref_slice %arg2[%squeeze3A_80, %multiple_of3A_78] : memref<16384x2048xf32, #tpu.memory_space<hbm>> -> memref<1x16xf32, #tpu.memory_space<hbm>>
      %dma_start3A_198 = tpu.memref_squeeze %dma_start3A_197 : memref<1x16xf32, #tpu.memory_space<hbm>> -> memref<16xf32, #tpu.memory_space<hbm>>
      tpu.enqueue_dma source(%dma_start3A_198 : memref<16xf32, #tpu.memory_space<hbm>>) target(%dma_start3A_196 : memref<16xf32, #tpu.memory_space<vmem>>) target_semaphore(%arg12 : memref<!tpu.dma_semaphore, #tpu.memory_space<semaphore_mem>>)
      %dma_start3A_199 = arith.constant 208 : i32
      %dma_start3A_200 = tpu.memref_slice %arg10[%dma_start3A_199] : memref<256xf32, #tpu.memory_space<vmem>> -> memref<16xf32, #tpu.memory_space<vmem>>
      %dma_start3A_201 = tpu.memref_slice %arg2[%squeeze3A_85, %multiple_of3A_83] : memref<16384x2048xf32, #tpu.memory_space<hbm>> -> memref<1x16xf32, #tpu.memory_space<hbm>>
      %dma_start3A_202 = tpu.memref_squeeze %dma_start3A_201 : memref<1x16xf32, #tpu.memory_space<hbm>> -> memref<16xf32, #tpu.memory_space<hbm>>
      %dma_start3A_203 = arith.constant 208 : i32
      %dma_start3A_204 = tpu.memref_slice %arg10[%dma_start3A_203] : memref<256xf32, #tpu.memory_space<vmem>> -> memref<16xf32, #tpu.memory_space<vmem>>
      %dma_start3A_205 = tpu.memref_slice %arg2[%squeeze3A_85, %multiple_of3A_83] : memref<16384x2048xf32, #tpu.memory_space<hbm>> -> memref<1x16xf32, #tpu.memory_space<hbm>>
      %dma_start3A_206 = tpu.memref_squeeze %dma_start3A_205 : memref<1x16xf32, #tpu.memory_space<hbm>> -> memref<16xf32, #tpu.memory_space<hbm>>
      tpu.enqueue_dma source(%dma_start3A_206 : memref<16xf32, #tpu.memory_space<hbm>>) target(%dma_start3A_204 : memref<16xf32, #tpu.memory_space<vmem>>) target_semaphore(%arg12 : memref<!tpu.dma_semaphore, #tpu.memory_space<semaphore_mem>>)
      %dma_start3A_207 = arith.constant 224 : i32
      %dma_start3A_208 = tpu.memref_slice %arg10[%dma_start3A_207] : memref<256xf32, #tpu.memory_space<vmem>> -> memref<16xf32, #tpu.memory_space<vmem>>
      %dma_start3A_209 = tpu.memref_slice %arg2[%squeeze3A_90, %multiple_of3A_88] : memref<16384x2048xf32, #tpu.memory_space<hbm>> -> memref<1x16xf32, #tpu.memory_space<hbm>>
      %dma_start3A_210 = tpu.memref_squeeze %dma_start3A_209 : memref<1x16xf32, #tpu.memory_space<hbm>> -> memref<16xf32, #tpu.memory_space<hbm>>
      %dma_start3A_211 = arith.constant 224 : i32
      %dma_start3A_212 = tpu.memref_slice %arg10[%dma_start3A_211] : memref<256xf32, #tpu.memory_space<vmem>> -> memref<16xf32, #tpu.memory_space<vmem>>
      %dma_start3A_213 = tpu.memref_slice %arg2[%squeeze3A_90, %multiple_of3A_88] : memref<16384x2048xf32, #tpu.memory_space<hbm>> -> memref<1x16xf32, #tpu.memory_space<hbm>>
      %dma_start3A_214 = tpu.memref_squeeze %dma_start3A_213 : memref<1x16xf32, #tpu.memory_space<hbm>> -> memref<16xf32, #tpu.memory_space<hbm>>
      tpu.enqueue_dma source(%dma_start3A_214 : memref<16xf32, #tpu.memory_space<hbm>>) target(%dma_start3A_212 : memref<16xf32, #tpu.memory_space<vmem>>) target_semaphore(%arg12 : memref<!tpu.dma_semaphore, #tpu.memory_space<semaphore_mem>>)
      %dma_start3A_215 = arith.constant 240 : i32
      %dma_start3A_216 = tpu.memref_slice %arg10[%dma_start3A_215] : memref<256xf32, #tpu.memory_space<vmem>> -> memref<16xf32, #tpu.memory_space<vmem>>
      %dma_start3A_217 = tpu.memref_slice %arg2[%squeeze3A_95, %multiple_of3A_93] : memref<16384x2048xf32, #tpu.memory_space<hbm>> -> memref<1x16xf32, #tpu.memory_space<hbm>>
      %dma_start3A_218 = tpu.memref_squeeze %dma_start3A_217 : memref<1x16xf32, #tpu.memory_space<hbm>> -> memref<16xf32, #tpu.memory_space<hbm>>
      %dma_start3A_219 = arith.constant 240 : i32
      %dma_start3A_220 = tpu.memref_slice %arg10[%dma_start3A_219] : memref<256xf32, #tpu.memory_space<vmem>> -> memref<16xf32, #tpu.memory_space<vmem>>
      %dma_start3A_221 = tpu.memref_slice %arg2[%squeeze3A_95, %multiple_of3A_93] : memref<16384x2048xf32, #tpu.memory_space<hbm>> -> memref<1x16xf32, #tpu.memory_space<hbm>>
      %dma_start3A_222 = tpu.memref_squeeze %dma_start3A_221 : memref<1x16xf32, #tpu.memory_space<hbm>> -> memref<16xf32, #tpu.memory_space<hbm>>
      tpu.enqueue_dma source(%dma_start3A_222 : memref<16xf32, #tpu.memory_space<hbm>>) target(%dma_start3A_220 : memref<16xf32, #tpu.memory_space<vmem>>) target_semaphore(%arg12 : memref<!tpu.dma_semaphore, #tpu.memory_space<semaphore_mem>>)
      %dma_wait3A = arith.constant 0 : i32
      %dma_wait3A_223 = tpu.memref_slice %arg10[%dma_wait3A] : memref<256xf32, #tpu.memory_space<vmem>> -> memref<16xf32, #tpu.memory_space<vmem>>
      %dma_wait3A_224 = tpu.memref_slice %arg2[%squeeze3A_20, %multiple_of3A] : memref<16384x2048xf32, #tpu.memory_space<hbm>> -> memref<1x16xf32, #tpu.memory_space<hbm>>
      %dma_wait3A_225 = tpu.memref_squeeze %dma_wait3A_224 : memref<1x16xf32, #tpu.memory_space<hbm>> -> memref<16xf32, #tpu.memory_space<hbm>>
      %dma_wait3A_226 = arith.constant 0 : i32
      %dma_wait3A_227 = tpu.memref_slice %arg10[%dma_wait3A_226] : memref<256xf32, #tpu.memory_space<vmem>> -> memref<16xf32, #tpu.memory_space<vmem>>
      %dma_wait3A_228 = tpu.memref_slice %arg2[%squeeze3A_20, %multiple_of3A] : memref<16384x2048xf32, #tpu.memory_space<hbm>> -> memref<1x16xf32, #tpu.memory_space<hbm>>
      %dma_wait3A_229 = tpu.memref_squeeze %dma_wait3A_228 : memref<1x16xf32, #tpu.memory_space<hbm>> -> memref<16xf32, #tpu.memory_space<hbm>>
      tpu.wait_dma2 semaphore(%arg12 : memref<!tpu.dma_semaphore, #tpu.memory_space<semaphore_mem>>) src(%dma_wait3A_229 : memref<16xf32, #tpu.memory_space<hbm>>) dst(%dma_wait3A_227 : memref<16xf32, #tpu.memory_space<vmem>>)
      %dma_wait3A_230 = arith.constant 16 : i32
      %dma_wait3A_231 = tpu.memref_slice %arg10[%dma_wait3A_230] : memref<256xf32, #tpu.memory_space<vmem>> -> memref<16xf32, #tpu.memory_space<vmem>>
      %dma_wait3A_232 = tpu.memref_slice %arg2[%squeeze3A_25, %multiple_of3A_23] : memref<16384x2048xf32, #tpu.memory_space<hbm>> -> memref<1x16xf32, #tpu.memory_space<hbm>>
      %dma_wait3A_233 = tpu.memref_squeeze %dma_wait3A_232 : memref<1x16xf32, #tpu.memory_space<hbm>> -> memref<16xf32, #tpu.memory_space<hbm>>
      %dma_wait3A_234 = arith.constant 16 : i32
      %dma_wait3A_235 = tpu.memref_slice %arg10[%dma_wait3A_234] : memref<256xf32, #tpu.memory_space<vmem>> -> memref<16xf32, #tpu.memory_space<vmem>>
      %dma_wait3A_236 = tpu.memref_slice %arg2[%squeeze3A_25, %multiple_of3A_23] : memref<16384x2048xf32, #tpu.memory_space<hbm>> -> memref<1x16xf32, #tpu.memory_space<hbm>>
      %dma_wait3A_237 = tpu.memref_squeeze %dma_wait3A_236 : memref<1x16xf32, #tpu.memory_space<hbm>> -> memref<16xf32, #tpu.memory_space<hbm>>
      tpu.wait_dma2 semaphore(%arg12 : memref<!tpu.dma_semaphore, #tpu.memory_space<semaphore_mem>>) src(%dma_wait3A_237 : memref<16xf32, #tpu.memory_space<hbm>>) dst(%dma_wait3A_235 : memref<16xf32, #tpu.memory_space<vmem>>)
      %dma_wait3A_238 = arith.constant 32 : i32
      %dma_wait3A_239 = tpu.memref_slice %arg10[%dma_wait3A_238] : memref<256xf32, #tpu.memory_space<vmem>> -> memref<16xf32, #tpu.memory_space<vmem>>
      %dma_wait3A_240 = tpu.memref_slice %arg2[%squeeze3A_30, %multiple_of3A_28] : memref<16384x2048xf32, #tpu.memory_space<hbm>> -> memref<1x16xf32, #tpu.memory_space<hbm>>
      %dma_wait3A_241 = tpu.memref_squeeze %dma_wait3A_240 : memref<1x16xf32, #tpu.memory_space<hbm>> -> memref<16xf32, #tpu.memory_space<hbm>>
      %dma_wait3A_242 = arith.constant 32 : i32
      %dma_wait3A_243 = tpu.memref_slice %arg10[%dma_wait3A_242] : memref<256xf32, #tpu.memory_space<vmem>> -> memref<16xf32, #tpu.memory_space<vmem>>
      %dma_wait3A_244 = tpu.memref_slice %arg2[%squeeze3A_30, %multiple_of3A_28] : memref<16384x2048xf32, #tpu.memory_space<hbm>> -> memref<1x16xf32, #tpu.memory_space<hbm>>
      %dma_wait3A_245 = tpu.memref_squeeze %dma_wait3A_244 : memref<1x16xf32, #tpu.memory_space<hbm>> -> memref<16xf32, #tpu.memory_space<hbm>>
      tpu.wait_dma2 semaphore(%arg12 : memref<!tpu.dma_semaphore, #tpu.memory_space<semaphore_mem>>) src(%dma_wait3A_245 : memref<16xf32, #tpu.memory_space<hbm>>) dst(%dma_wait3A_243 : memref<16xf32, #tpu.memory_space<vmem>>)
      %dma_wait3A_246 = arith.constant 48 : i32
      %dma_wait3A_247 = tpu.memref_slice %arg10[%dma_wait3A_246] : memref<256xf32, #tpu.memory_space<vmem>> -> memref<16xf32, #tpu.memory_space<vmem>>
      %dma_wait3A_248 = tpu.memref_slice %arg2[%squeeze3A_35, %multiple_of3A_33] : memref<16384x2048xf32, #tpu.memory_space<hbm>> -> memref<1x16xf32, #tpu.memory_space<hbm>>
      %dma_wait3A_249 = tpu.memref_squeeze %dma_wait3A_248 : memref<1x16xf32, #tpu.memory_space<hbm>> -> memref<16xf32, #tpu.memory_space<hbm>>
      %dma_wait3A_250 = arith.constant 48 : i32
      %dma_wait3A_251 = tpu.memref_slice %arg10[%dma_wait3A_250] : memref<256xf32, #tpu.memory_space<vmem>> -> memref<16xf32, #tpu.memory_space<vmem>>
      %dma_wait3A_252 = tpu.memref_slice %arg2[%squeeze3A_35, %multiple_of3A_33] : memref<16384x2048xf32, #tpu.memory_space<hbm>> -> memref<1x16xf32, #tpu.memory_space<hbm>>
      %dma_wait3A_253 = tpu.memref_squeeze %dma_wait3A_252 : memref<1x16xf32, #tpu.memory_space<hbm>> -> memref<16xf32, #tpu.memory_space<hbm>>
      tpu.wait_dma2 semaphore(%arg12 : memref<!tpu.dma_semaphore, #tpu.memory_space<semaphore_mem>>) src(%dma_wait3A_253 : memref<16xf32, #tpu.memory_space<hbm>>) dst(%dma_wait3A_251 : memref<16xf32, #tpu.memory_space<vmem>>)
      %dma_wait3A_254 = arith.constant 64 : i32
      %dma_wait3A_255 = tpu.memref_slice %arg10[%dma_wait3A_254] : memref<256xf32, #tpu.memory_space<vmem>> -> memref<16xf32, #tpu.memory_space<vmem>>
      %dma_wait3A_256 = tpu.memref_slice %arg2[%squeeze3A_40, %multiple_of3A_38] : memref<16384x2048xf32, #tpu.memory_space<hbm>> -> memref<1x16xf32, #tpu.memory_space<hbm>>
      %dma_wait3A_257 = tpu.memref_squeeze %dma_wait3A_256 : memref<1x16xf32, #tpu.memory_space<hbm>> -> memref<16xf32, #tpu.memory_space<hbm>>
      %dma_wait3A_258 = arith.constant 64 : i32
      %dma_wait3A_259 = tpu.memref_slice %arg10[%dma_wait3A_258] : memref<256xf32, #tpu.memory_space<vmem>> -> memref<16xf32, #tpu.memory_space<vmem>>
      %dma_wait3A_260 = tpu.memref_slice %arg2[%squeeze3A_40, %multiple_of3A_38] : memref<16384x2048xf32, #tpu.memory_space<hbm>> -> memref<1x16xf32, #tpu.memory_space<hbm>>
      %dma_wait3A_261 = tpu.memref_squeeze %dma_wait3A_260 : memref<1x16xf32, #tpu.memory_space<hbm>> -> memref<16xf32, #tpu.memory_space<hbm>>
      tpu.wait_dma2 semaphore(%arg12 : memref<!tpu.dma_semaphore, #tpu.memory_space<semaphore_mem>>) src(%dma_wait3A_261 : memref<16xf32, #tpu.memory_space<hbm>>) dst(%dma_wait3A_259 : memref<16xf32, #tpu.memory_space<vmem>>)
      %dma_wait3A_262 = arith.constant 80 : i32
      %dma_wait3A_263 = tpu.memref_slice %arg10[%dma_wait3A_262] : memref<256xf32, #tpu.memory_space<vmem>> -> memref<16xf32, #tpu.memory_space<vmem>>
      %dma_wait3A_264 = tpu.memref_slice %arg2[%squeeze3A_45, %multiple_of3A_43] : memref<16384x2048xf32, #tpu.memory_space<hbm>> -> memref<1x16xf32, #tpu.memory_space<hbm>>
      %dma_wait3A_265 = tpu.memref_squeeze %dma_wait3A_264 : memref<1x16xf32, #tpu.memory_space<hbm>> -> memref<16xf32, #tpu.memory_space<hbm>>
      %dma_wait3A_266 = arith.constant 80 : i32
      %dma_wait3A_267 = tpu.memref_slice %arg10[%dma_wait3A_266] : memref<256xf32, #tpu.memory_space<vmem>> -> memref<16xf32, #tpu.memory_space<vmem>>
      %dma_wait3A_268 = tpu.memref_slice %arg2[%squeeze3A_45, %multiple_of3A_43] : memref<16384x2048xf32, #tpu.memory_space<hbm>> -> memref<1x16xf32, #tpu.memory_space<hbm>>
      %dma_wait3A_269 = tpu.memref_squeeze %dma_wait3A_268 : memref<1x16xf32, #tpu.memory_space<hbm>> -> memref<16xf32, #tpu.memory_space<hbm>>
      tpu.wait_dma2 semaphore(%arg12 : memref<!tpu.dma_semaphore, #tpu.memory_space<semaphore_mem>>) src(%dma_wait3A_269 : memref<16xf32, #tpu.memory_space<hbm>>) dst(%dma_wait3A_267 : memref<16xf32, #tpu.memory_space<vmem>>)
      %dma_wait3A_270 = arith.constant 96 : i32
      %dma_wait3A_271 = tpu.memref_slice %arg10[%dma_wait3A_270] : memref<256xf32, #tpu.memory_space<vmem>> -> memref<16xf32, #tpu.memory_space<vmem>>
      %dma_wait3A_272 = tpu.memref_slice %arg2[%squeeze3A_50, %multiple_of3A_48] : memref<16384x2048xf32, #tpu.memory_space<hbm>> -> memref<1x16xf32, #tpu.memory_space<hbm>>
      %dma_wait3A_273 = tpu.memref_squeeze %dma_wait3A_272 : memref<1x16xf32, #tpu.memory_space<hbm>> -> memref<16xf32, #tpu.memory_space<hbm>>
      %dma_wait3A_274 = arith.constant 96 : i32
      %dma_wait3A_275 = tpu.memref_slice %arg10[%dma_wait3A_274] : memref<256xf32, #tpu.memory_space<vmem>> -> memref<16xf32, #tpu.memory_space<vmem>>
      %dma_wait3A_276 = tpu.memref_slice %arg2[%squeeze3A_50, %multiple_of3A_48] : memref<16384x2048xf32, #tpu.memory_space<hbm>> -> memref<1x16xf32, #tpu.memory_space<hbm>>
      %dma_wait3A_277 = tpu.memref_squeeze %dma_wait3A_276 : memref<1x16xf32, #tpu.memory_space<hbm>> -> memref<16xf32, #tpu.memory_space<hbm>>
      tpu.wait_dma2 semaphore(%arg12 : memref<!tpu.dma_semaphore, #tpu.memory_space<semaphore_mem>>) src(%dma_wait3A_277 : memref<16xf32, #tpu.memory_space<hbm>>) dst(%dma_wait3A_275 : memref<16xf32, #tpu.memory_space<vmem>>)
      %dma_wait3A_278 = arith.constant 112 : i32
      %dma_wait3A_279 = tpu.memref_slice %arg10[%dma_wait3A_278] : memref<256xf32, #tpu.memory_space<vmem>> -> memref<16xf32, #tpu.memory_space<vmem>>
      %dma_wait3A_280 = tpu.memref_slice %arg2[%squeeze3A_55, %multiple_of3A_53] : memref<16384x2048xf32, #tpu.memory_space<hbm>> -> memref<1x16xf32, #tpu.memory_space<hbm>>
      %dma_wait3A_281 = tpu.memref_squeeze %dma_wait3A_280 : memref<1x16xf32, #tpu.memory_space<hbm>> -> memref<16xf32, #tpu.memory_space<hbm>>
      %dma_wait3A_282 = arith.constant 112 : i32
      %dma_wait3A_283 = tpu.memref_slice %arg10[%dma_wait3A_282] : memref<256xf32, #tpu.memory_space<vmem>> -> memref<16xf32, #tpu.memory_space<vmem>>
      %dma_wait3A_284 = tpu.memref_slice %arg2[%squeeze3A_55, %multiple_of3A_53] : memref<16384x2048xf32, #tpu.memory_space<hbm>> -> memref<1x16xf32, #tpu.memory_space<hbm>>
      %dma_wait3A_285 = tpu.memref_squeeze %dma_wait3A_284 : memref<1x16xf32, #tpu.memory_space<hbm>> -> memref<16xf32, #tpu.memory_space<hbm>>
      tpu.wait_dma2 semaphore(%arg12 : memref<!tpu.dma_semaphore, #tpu.memory_space<semaphore_mem>>) src(%dma_wait3A_285 : memref<16xf32, #tpu.memory_space<hbm>>) dst(%dma_wait3A_283 : memref<16xf32, #tpu.memory_space<vmem>>)
      %dma_wait3A_286 = arith.constant 128 : i32
      %dma_wait3A_287 = tpu.memref_slice %arg10[%dma_wait3A_286] : memref<256xf32, #tpu.memory_space<vmem>> -> memref<16xf32, #tpu.memory_space<vmem>>
      %dma_wait3A_288 = tpu.memref_slice %arg2[%squeeze3A_60, %multiple_of3A_58] : memref<16384x2048xf32, #tpu.memory_space<hbm>> -> memref<1x16xf32, #tpu.memory_space<hbm>>
      %dma_wait3A_289 = tpu.memref_squeeze %dma_wait3A_288 : memref<1x16xf32, #tpu.memory_space<hbm>> -> memref<16xf32, #tpu.memory_space<hbm>>
      %dma_wait3A_290 = arith.constant 128 : i32
      %dma_wait3A_291 = tpu.memref_slice %arg10[%dma_wait3A_290] : memref<256xf32, #tpu.memory_space<vmem>> -> memref<16xf32, #tpu.memory_space<vmem>>
      %dma_wait3A_292 = tpu.memref_slice %arg2[%squeeze3A_60, %multiple_of3A_58] : memref<16384x2048xf32, #tpu.memory_space<hbm>> -> memref<1x16xf32, #tpu.memory_space<hbm>>
      %dma_wait3A_293 = tpu.memref_squeeze %dma_wait3A_292 : memref<1x16xf32, #tpu.memory_space<hbm>> -> memref<16xf32, #tpu.memory_space<hbm>>
      tpu.wait_dma2 semaphore(%arg12 : memref<!tpu.dma_semaphore, #tpu.memory_space<semaphore_mem>>) src(%dma_wait3A_293 : memref<16xf32, #tpu.memory_space<hbm>>) dst(%dma_wait3A_291 : memref<16xf32, #tpu.memory_space<vmem>>)
      %dma_wait3A_294 = arith.constant 144 : i32
      %dma_wait3A_295 = tpu.memref_slice %arg10[%dma_wait3A_294] : memref<256xf32, #tpu.memory_space<vmem>> -> memref<16xf32, #tpu.memory_space<vmem>>
      %dma_wait3A_296 = tpu.memref_slice %arg2[%squeeze3A_65, %multiple_of3A_63] : memref<16384x2048xf32, #tpu.memory_space<hbm>> -> memref<1x16xf32, #tpu.memory_space<hbm>>
      %dma_wait3A_297 = tpu.memref_squeeze %dma_wait3A_296 : memref<1x16xf32, #tpu.memory_space<hbm>> -> memref<16xf32, #tpu.memory_space<hbm>>
      %dma_wait3A_298 = arith.constant 144 : i32
      %dma_wait3A_299 = tpu.memref_slice %arg10[%dma_wait3A_298] : memref<256xf32, #tpu.memory_space<vmem>> -> memref<16xf32, #tpu.memory_space<vmem>>
      %dma_wait3A_300 = tpu.memref_slice %arg2[%squeeze3A_65, %multiple_of3A_63] : memref<16384x2048xf32, #tpu.memory_space<hbm>> -> memref<1x16xf32, #tpu.memory_space<hbm>>
      %dma_wait3A_301 = tpu.memref_squeeze %dma_wait3A_300 : memref<1x16xf32, #tpu.memory_space<hbm>> -> memref<16xf32, #tpu.memory_space<hbm>>
      tpu.wait_dma2 semaphore(%arg12 : memref<!tpu.dma_semaphore, #tpu.memory_space<semaphore_mem>>) src(%dma_wait3A_301 : memref<16xf32, #tpu.memory_space<hbm>>) dst(%dma_wait3A_299 : memref<16xf32, #tpu.memory_space<vmem>>)
      %dma_wait3A_302 = arith.constant 160 : i32
      %dma_wait3A_303 = tpu.memref_slice %arg10[%dma_wait3A_302] : memref<256xf32, #tpu.memory_space<vmem>> -> memref<16xf32, #tpu.memory_space<vmem>>
      %dma_wait3A_304 = tpu.memref_slice %arg2[%squeeze3A_70, %multiple_of3A_68] : memref<16384x2048xf32, #tpu.memory_space<hbm>> -> memref<1x16xf32, #tpu.memory_space<hbm>>
      %dma_wait3A_305 = tpu.memref_squeeze %dma_wait3A_304 : memref<1x16xf32, #tpu.memory_space<hbm>> -> memref<16xf32, #tpu.memory_space<hbm>>
      %dma_wait3A_306 = arith.constant 160 : i32
      %dma_wait3A_307 = tpu.memref_slice %arg10[%dma_wait3A_306] : memref<256xf32, #tpu.memory_space<vmem>> -> memref<16xf32, #tpu.memory_space<vmem>>
      %dma_wait3A_308 = tpu.memref_slice %arg2[%squeeze3A_70, %multiple_of3A_68] : memref<16384x2048xf32, #tpu.memory_space<hbm>> -> memref<1x16xf32, #tpu.memory_space<hbm>>
      %dma_wait3A_309 = tpu.memref_squeeze %dma_wait3A_308 : memref<1x16xf32, #tpu.memory_space<hbm>> -> memref<16xf32, #tpu.memory_space<hbm>>
      tpu.wait_dma2 semaphore(%arg12 : memref<!tpu.dma_semaphore, #tpu.memory_space<semaphore_mem>>) src(%dma_wait3A_309 : memref<16xf32, #tpu.memory_space<hbm>>) dst(%dma_wait3A_307 : memref<16xf32, #tpu.memory_space<vmem>>)
      %dma_wait3A_310 = arith.constant 176 : i32
      %dma_wait3A_311 = tpu.memref_slice %arg10[%dma_wait3A_310] : memref<256xf32, #tpu.memory_space<vmem>> -> memref<16xf32, #tpu.memory_space<vmem>>
      %dma_wait3A_312 = tpu.memref_slice %arg2[%squeeze3A_75, %multiple_of3A_73] : memref<16384x2048xf32, #tpu.memory_space<hbm>> -> memref<1x16xf32, #tpu.memory_space<hbm>>
      %dma_wait3A_313 = tpu.memref_squeeze %dma_wait3A_312 : memref<1x16xf32, #tpu.memory_space<hbm>> -> memref<16xf32, #tpu.memory_space<hbm>>
      %dma_wait3A_314 = arith.constant 176 : i32
      %dma_wait3A_315 = tpu.memref_slice %arg10[%dma_wait3A_314] : memref<256xf32, #tpu.memory_space<vmem>> -> memref<16xf32, #tpu.memory_space<vmem>>
      %dma_wait3A_316 = tpu.memref_slice %arg2[%squeeze3A_75, %multiple_of3A_73] : memref<16384x2048xf32, #tpu.memory_space<hbm>> -> memref<1x16xf32, #tpu.memory_space<hbm>>
      %dma_wait3A_317 = tpu.memref_squeeze %dma_wait3A_316 : memref<1x16xf32, #tpu.memory_space<hbm>> -> memref<16xf32, #tpu.memory_space<hbm>>
      tpu.wait_dma2 semaphore(%arg12 : memref<!tpu.dma_semaphore, #tpu.memory_space<semaphore_mem>>) src(%dma_wait3A_317 : memref<16xf32, #tpu.memory_space<hbm>>) dst(%dma_wait3A_315 : memref<16xf32, #tpu.memory_space<vmem>>)
      %dma_wait3A_318 = arith.constant 192 : i32
      %dma_wait3A_319 = tpu.memref_slice %arg10[%dma_wait3A_318] : memref<256xf32, #tpu.memory_space<vmem>> -> memref<16xf32, #tpu.memory_space<vmem>>
      %dma_wait3A_320 = tpu.memref_slice %arg2[%squeeze3A_80, %multiple_of3A_78] : memref<16384x2048xf32, #tpu.memory_space<hbm>> -> memref<1x16xf32, #tpu.memory_space<hbm>>
      %dma_wait3A_321 = tpu.memref_squeeze %dma_wait3A_320 : memref<1x16xf32, #tpu.memory_space<hbm>> -> memref<16xf32, #tpu.memory_space<hbm>>
      %dma_wait3A_322 = arith.constant 192 : i32
      %dma_wait3A_323 = tpu.memref_slice %arg10[%dma_wait3A_322] : memref<256xf32, #tpu.memory_space<vmem>> -> memref<16xf32, #tpu.memory_space<vmem>>
      %dma_wait3A_324 = tpu.memref_slice %arg2[%squeeze3A_80, %multiple_of3A_78] : memref<16384x2048xf32, #tpu.memory_space<hbm>> -> memref<1x16xf32, #tpu.memory_space<hbm>>
      %dma_wait3A_325 = tpu.memref_squeeze %dma_wait3A_324 : memref<1x16xf32, #tpu.memory_space<hbm>> -> memref<16xf32, #tpu.memory_space<hbm>>
      tpu.wait_dma2 semaphore(%arg12 : memref<!tpu.dma_semaphore, #tpu.memory_space<semaphore_mem>>) src(%dma_wait3A_325 : memref<16xf32, #tpu.memory_space<hbm>>) dst(%dma_wait3A_323 : memref<16xf32, #tpu.memory_space<vmem>>)
      %dma_wait3A_326 = arith.constant 208 : i32
      %dma_wait3A_327 = tpu.memref_slice %arg10[%dma_wait3A_326] : memref<256xf32, #tpu.memory_space<vmem>> -> memref<16xf32, #tpu.memory_space<vmem>>
      %dma_wait3A_328 = tpu.memref_slice %arg2[%squeeze3A_85, %multiple_of3A_83] : memref<16384x2048xf32, #tpu.memory_space<hbm>> -> memref<1x16xf32, #tpu.memory_space<hbm>>
      %dma_wait3A_329 = tpu.memref_squeeze %dma_wait3A_328 : memref<1x16xf32, #tpu.memory_space<hbm>> -> memref<16xf32, #tpu.memory_space<hbm>>
      %dma_wait3A_330 = arith.constant 208 : i32
      %dma_wait3A_331 = tpu.memref_slice %arg10[%dma_wait3A_330] : memref<256xf32, #tpu.memory_space<vmem>> -> memref<16xf32, #tpu.memory_space<vmem>>
      %dma_wait3A_332 = tpu.memref_slice %arg2[%squeeze3A_85, %multiple_of3A_83] : memref<16384x2048xf32, #tpu.memory_space<hbm>> -> memref<1x16xf32, #tpu.memory_space<hbm>>
      %dma_wait3A_333 = tpu.memref_squeeze %dma_wait3A_332 : memref<1x16xf32, #tpu.memory_space<hbm>> -> memref<16xf32, #tpu.memory_space<hbm>>
      tpu.wait_dma2 semaphore(%arg12 : memref<!tpu.dma_semaphore, #tpu.memory_space<semaphore_mem>>) src(%dma_wait3A_333 : memref<16xf32, #tpu.memory_space<hbm>>) dst(%dma_wait3A_331 : memref<16xf32, #tpu.memory_space<vmem>>)
      %dma_wait3A_334 = arith.constant 224 : i32
      %dma_wait3A_335 = tpu.memref_slice %arg10[%dma_wait3A_334] : memref<256xf32, #tpu.memory_space<vmem>> -> memref<16xf32, #tpu.memory_space<vmem>>
      %dma_wait3A_336 = tpu.memref_slice %arg2[%squeeze3A_90, %multiple_of3A_88] : memref<16384x2048xf32, #tpu.memory_space<hbm>> -> memref<1x16xf32, #tpu.memory_space<hbm>>
      %dma_wait3A_337 = tpu.memref_squeeze %dma_wait3A_336 : memref<1x16xf32, #tpu.memory_space<hbm>> -> memref<16xf32, #tpu.memory_space<hbm>>
      %dma_wait3A_338 = arith.constant 224 : i32
      %dma_wait3A_339 = tpu.memref_slice %arg10[%dma_wait3A_338] : memref<256xf32, #tpu.memory_space<vmem>> -> memref<16xf32, #tpu.memory_space<vmem>>
      %dma_wait3A_340 = tpu.memref_slice %arg2[%squeeze3A_90, %multiple_of3A_88] : memref<16384x2048xf32, #tpu.memory_space<hbm>> -> memref<1x16xf32, #tpu.memory_space<hbm>>
      %dma_wait3A_341 = tpu.memref_squeeze %dma_wait3A_340 : memref<1x16xf32, #tpu.memory_space<hbm>> -> memref<16xf32, #tpu.memory_space<hbm>>
      tpu.wait_dma2 semaphore(%arg12 : memref<!tpu.dma_semaphore, #tpu.memory_space<semaphore_mem>>) src(%dma_wait3A_341 : memref<16xf32, #tpu.memory_space<hbm>>) dst(%dma_wait3A_339 : memref<16xf32, #tpu.memory_space<vmem>>)
      %dma_wait3A_342 = arith.constant 240 : i32
      %dma_wait3A_343 = tpu.memref_slice %arg10[%dma_wait3A_342] : memref<256xf32, #tpu.memory_space<vmem>> -> memref<16xf32, #tpu.memory_space<vmem>>
      %dma_wait3A_344 = tpu.memref_slice %arg2[%squeeze3A_95, %multiple_of3A_93] : memref<16384x2048xf32, #tpu.memory_space<hbm>> -> memref<1x16xf32, #tpu.memory_space<hbm>>
      %dma_wait3A_345 = tpu.memref_squeeze %dma_wait3A_344 : memref<1x16xf32, #tpu.memory_space<hbm>> -> memref<16xf32, #tpu.memory_space<hbm>>
      %dma_wait3A_346 = arith.constant 240 : i32
      %dma_wait3A_347 = tpu.memref_slice %arg10[%dma_wait3A_346] : memref<256xf32, #tpu.memory_space<vmem>> -> memref<16xf32, #tpu.memory_space<vmem>>
      %dma_wait3A_348 = tpu.memref_slice %arg2[%squeeze3A_95, %multiple_of3A_93] : memref<16384x2048xf32, #tpu.memory_space<hbm>> -> memref<1x16xf32, #tpu.memory_space<hbm>>
      %dma_wait3A_349 = tpu.memref_squeeze %dma_wait3A_348 : memref<1x16xf32, #tpu.memory_space<hbm>> -> memref<16xf32, #tpu.memory_space<hbm>>
      tpu.wait_dma2 semaphore(%arg12 : memref<!tpu.dma_semaphore, #tpu.memory_space<semaphore_mem>>) src(%dma_wait3A_349 : memref<16xf32, #tpu.memory_space<hbm>>) dst(%dma_wait3A_347 : memref<16xf32, #tpu.memory_space<vmem>>)
      %iota3A = tpu.iota {dimensions = array<i32: 0>} : vector<16xi32>
      %broadcast_in_dim3A = arith.constant 0.000000e+00 : f32
      %broadcast_in_dim3A_350 = vector.broadcast %broadcast_in_dim3A : f32 to vector<16xf32>
      %get3A_351 = arith.constant 0 : index
      %get3A_352 = tpu.vector_load %arg10[%get3A_351] {strides = array<i32>} : memref<256xf32, #tpu.memory_space<vmem>>, vector<16xf32>,
      %get3A_353 = vector.shape_cast %get3A_352 : vector<16xf32> to vector<16xf32>
      %slice3A_354 = vector.extract_strided_slice %and3A_18 {offsets = [0], sizes = [1], strides = [1]} : vector<16xi32> to vector<1xi32>
      %squeeze3A_355 = vector.extract %slice3A_354[0] : i32 from vector<1xi32>
      %broadcast_in_dim3A_356 = vector.broadcast %squeeze3A_355 : i32 to vector<16xi32>
      %lt3A_357 = arith.constant 0 : i32
      %lt3A_358 = vector.broadcast %lt3A_357 : i32 to vector<16xi32>
      %lt3A_359 = arith.cmpi slt, %broadcast_in_dim3A_356, %lt3A_358 : vector<16xi32>
      %add3A_360 = arith.constant 16 : i32
      %add3A_361 = vector.broadcast %add3A_360 : i32 to vector<16xi32>
      %add3A_362 = arith.addi %broadcast_in_dim3A_356, %add3A_361 : vector<16xi32>
      %select_n3A = arith.select %lt3A_359, %add3A_362, %broadcast_in_dim3A_356 : vector<16xi1>, vector<16xi32>
      %broadcast_in_dim3A_363 = vector.shape_cast %select_n3A : vector<16xi32> to vector<16x1xi32>
      %gather3A = vector.shape_cast %broadcast_in_dim3A_363 : vector<16x1xi32> to vector<16xi32>
      %gather3A_364 = tpu.dynamic_gather %get3A_353[%gather3A] in [0] : vector<16xf32>, vector<16xi32> -> vector<16xf32>
      %eq3A = arith.constant 0 : i32
      %eq3A_365 = vector.broadcast %eq3A : i32 to vector<16xi32>
      %eq3A_366 = arith.cmpi eq, %iota3A, %eq3A_365 : vector<16xi32>
      %select_n3A_367 = arith.select %eq3A_366, %gather3A_364, %broadcast_in_dim3A_350 : vector<16xi1>, vector<16xf32>
      %get3A_368 = arith.constant 16 : index
      %get3A_369 = tpu.vector_load %arg10[%get3A_368] {strides = array<i32>} : memref<256xf32, #tpu.memory_space<vmem>>, vector<16xf32>,
      %get3A_370 = vector.shape_cast %get3A_369 : vector<16xf32> to vector<16xf32>
      %slice3A_371 = vector.extract_strided_slice %and3A_18 {offsets = [1], sizes = [1], strides = [1]} : vector<16xi32> to vector<1xi32>
      %squeeze3A_372 = vector.extract %slice3A_371[0] : i32 from vector<1xi32>
      %broadcast_in_dim3A_373 = vector.broadcast %squeeze3A_372 : i32 to vector<16xi32>
      %lt3A_374 = arith.constant 0 : i32
      %lt3A_375 = vector.broadcast %lt3A_374 : i32 to vector<16xi32>
      %lt3A_376 = arith.cmpi slt, %broadcast_in_dim3A_373, %lt3A_375 : vector<16xi32>
      %add3A_377 = arith.constant 16 : i32
      %add3A_378 = vector.broadcast %add3A_377 : i32 to vector<16xi32>
      %add3A_379 = arith.addi %broadcast_in_dim3A_373, %add3A_378 : vector<16xi32>
      %select_n3A_380 = arith.select %lt3A_376, %add3A_379, %broadcast_in_dim3A_373 : vector<16xi1>, vector<16xi32>
      %broadcast_in_dim3A_381 = vector.shape_cast %select_n3A_380 : vector<16xi32> to vector<16x1xi32>
      %gather3A_382 = vector.shape_cast %broadcast_in_dim3A_381 : vector<16x1xi32> to vector<16xi32>
      %gather3A_383 = tpu.dynamic_gather %get3A_370[%gather3A_382] in [0] : vector<16xf32>, vector<16xi32> -> vector<16xf32>
      %eq3A_384 = arith.constant 1 : i32
      %eq3A_385 = vector.broadcast %eq3A_384 : i32 to vector<16xi32>
      %eq3A_386 = arith.cmpi eq, %iota3A, %eq3A_385 : vector<16xi32>
      %select_n3A_387 = arith.select %eq3A_386, %gather3A_383, %select_n3A_367 : vector<16xi1>, vector<16xf32>
      %get3A_388 = arith.constant 32 : index
      %get3A_389 = tpu.vector_load %arg10[%get3A_388] {strides = array<i32>} : memref<256xf32, #tpu.memory_space<vmem>>, vector<16xf32>,
      %get3A_390 = vector.shape_cast %get3A_389 : vector<16xf32> to vector<16xf32>
      %slice3A_391 = vector.extract_strided_slice %and3A_18 {offsets = [2], sizes = [1], strides = [1]} : vector<16xi32> to vector<1xi32>
      %squeeze3A_392 = vector.extract %slice3A_391[0] : i32 from vector<1xi32>
      %broadcast_in_dim3A_393 = vector.broadcast %squeeze3A_392 : i32 to vector<16xi32>
      %lt3A_394 = arith.constant 0 : i32
      %lt3A_395 = vector.broadcast %lt3A_394 : i32 to vector<16xi32>
      %lt3A_396 = arith.cmpi slt, %broadcast_in_dim3A_393, %lt3A_395 : vector<16xi32>
      %add3A_397 = arith.constant 16 : i32
      %add3A_398 = vector.broadcast %add3A_397 : i32 to vector<16xi32>
      %add3A_399 = arith.addi %broadcast_in_dim3A_393, %add3A_398 : vector<16xi32>
      %select_n3A_400 = arith.select %lt3A_396, %add3A_399, %broadcast_in_dim3A_393 : vector<16xi1>, vector<16xi32>
      %broadcast_in_dim3A_401 = vector.shape_cast %select_n3A_400 : vector<16xi32> to vector<16x1xi32>
      %gather3A_402 = vector.shape_cast %broadcast_in_dim3A_401 : vector<16x1xi32> to vector<16xi32>
      %gather3A_403 = tpu.dynamic_gather %get3A_390[%gather3A_402] in [0] : vector<16xf32>, vector<16xi32> -> vector<16xf32>
      %eq3A_404 = arith.constant 2 : i32
      %eq3A_405 = vector.broadcast %eq3A_404 : i32 to vector<16xi32>
      %eq3A_406 = arith.cmpi eq, %iota3A, %eq3A_405 : vector<16xi32>
      %select_n3A_407 = arith.select %eq3A_406, %gather3A_403, %select_n3A_387 : vector<16xi1>, vector<16xf32>
      %get3A_408 = arith.constant 48 : index
      %get3A_409 = tpu.vector_load %arg10[%get3A_408] {strides = array<i32>} : memref<256xf32, #tpu.memory_space<vmem>>, vector<16xf32>,
      %get3A_410 = vector.shape_cast %get3A_409 : vector<16xf32> to vector<16xf32>
      %slice3A_411 = vector.extract_strided_slice %and3A_18 {offsets = [3], sizes = [1], strides = [1]} : vector<16xi32> to vector<1xi32>
      %squeeze3A_412 = vector.extract %slice3A_411[0] : i32 from vector<1xi32>
      %broadcast_in_dim3A_413 = vector.broadcast %squeeze3A_412 : i32 to vector<16xi32>
      %lt3A_414 = arith.constant 0 : i32
      %lt3A_415 = vector.broadcast %lt3A_414 : i32 to vector<16xi32>
      %lt3A_416 = arith.cmpi slt, %broadcast_in_dim3A_413, %lt3A_415 : vector<16xi32>
      %add3A_417 = arith.constant 16 : i32
      %add3A_418 = vector.broadcast %add3A_417 : i32 to vector<16xi32>
      %add3A_419 = arith.addi %broadcast_in_dim3A_413, %add3A_418 : vector<16xi32>
      %select_n3A_420 = arith.select %lt3A_416, %add3A_419, %broadcast_in_dim3A_413 : vector<16xi1>, vector<16xi32>
      %broadcast_in_dim3A_421 = vector.shape_cast %select_n3A_420 : vector<16xi32> to vector<16x1xi32>
      %gather3A_422 = vector.shape_cast %broadcast_in_dim3A_421 : vector<16x1xi32> to vector<16xi32>
      %gather3A_423 = tpu.dynamic_gather %get3A_410[%gather3A_422] in [0] : vector<16xf32>, vector<16xi32> -> vector<16xf32>
      %eq3A_424 = arith.constant 3 : i32
      %eq3A_425 = vector.broadcast %eq3A_424 : i32 to vector<16xi32>
      %eq3A_426 = arith.cmpi eq, %iota3A, %eq3A_425 : vector<16xi32>
      %select_n3A_427 = arith.select %eq3A_426, %gather3A_423, %select_n3A_407 : vector<16xi1>, vector<16xf32>
      %get3A_428 = arith.constant 64 : index
      %get3A_429 = tpu.vector_load %arg10[%get3A_428] {strides = array<i32>} : memref<256xf32, #tpu.memory_space<vmem>>, vector<16xf32>,
      %get3A_430 = vector.shape_cast %get3A_429 : vector<16xf32> to vector<16xf32>
      %slice3A_431 = vector.extract_strided_slice %and3A_18 {offsets = [4], sizes = [1], strides = [1]} : vector<16xi32> to vector<1xi32>
      %squeeze3A_432 = vector.extract %slice3A_431[0] : i32 from vector<1xi32>
      %broadcast_in_dim3A_433 = vector.broadcast %squeeze3A_432 : i32 to vector<16xi32>
      %lt3A_434 = arith.constant 0 : i32
      %lt3A_435 = vector.broadcast %lt3A_434 : i32 to vector<16xi32>
      %lt3A_436 = arith.cmpi slt, %broadcast_in_dim3A_433, %lt3A_435 : vector<16xi32>
      %add3A_437 = arith.constant 16 : i32
      %add3A_438 = vector.broadcast %add3A_437 : i32 to vector<16xi32>
      %add3A_439 = arith.addi %broadcast_in_dim3A_433, %add3A_438 : vector<16xi32>
      %select_n3A_440 = arith.select %lt3A_436, %add3A_439, %broadcast_in_dim3A_433 : vector<16xi1>, vector<16xi32>
      %broadcast_in_dim3A_441 = vector.shape_cast %select_n3A_440 : vector<16xi32> to vector<16x1xi32>
      %gather3A_442 = vector.shape_cast %broadcast_in_dim3A_441 : vector<16x1xi32> to vector<16xi32>
      %gather3A_443 = tpu.dynamic_gather %get3A_430[%gather3A_442] in [0] : vector<16xf32>, vector<16xi32> -> vector<16xf32>
      %eq3A_444 = arith.constant 4 : i32
      %eq3A_445 = vector.broadcast %eq3A_444 : i32 to vector<16xi32>
      %eq3A_446 = arith.cmpi eq, %iota3A, %eq3A_445 : vector<16xi32>
      %select_n3A_447 = arith.select %eq3A_446, %gather3A_443, %select_n3A_427 : vector<16xi1>, vector<16xf32>
      %get3A_448 = arith.constant 80 : index
      %get3A_449 = tpu.vector_load %arg10[%get3A_448] {strides = array<i32>} : memref<256xf32, #tpu.memory_space<vmem>>, vector<16xf32>,
      %get3A_450 = vector.shape_cast %get3A_449 : vector<16xf32> to vector<16xf32>
      %slice3A_451 = vector.extract_strided_slice %and3A_18 {offsets = [5], sizes = [1], strides = [1]} : vector<16xi32> to vector<1xi32>
      %squeeze3A_452 = vector.extract %slice3A_451[0] : i32 from vector<1xi32>
      %broadcast_in_dim3A_453 = vector.broadcast %squeeze3A_452 : i32 to vector<16xi32>
      %lt3A_454 = arith.constant 0 : i32
      %lt3A_455 = vector.broadcast %lt3A_454 : i32 to vector<16xi32>
      %lt3A_456 = arith.cmpi slt, %broadcast_in_dim3A_453, %lt3A_455 : vector<16xi32>
      %add3A_457 = arith.constant 16 : i32
      %add3A_458 = vector.broadcast %add3A_457 : i32 to vector<16xi32>
      %add3A_459 = arith.addi %broadcast_in_dim3A_453, %add3A_458 : vector<16xi32>
      %select_n3A_460 = arith.select %lt3A_456, %add3A_459, %broadcast_in_dim3A_453 : vector<16xi1>, vector<16xi32>
      %broadcast_in_dim3A_461 = vector.shape_cast %select_n3A_460 : vector<16xi32> to vector<16x1xi32>
      %gather3A_462 = vector.shape_cast %broadcast_in_dim3A_461 : vector<16x1xi32> to vector<16xi32>
      %gather3A_463 = tpu.dynamic_gather %get3A_450[%gather3A_462] in [0] : vector<16xf32>, vector<16xi32> -> vector<16xf32>
      %eq3A_464 = arith.constant 5 : i32
      %eq3A_465 = vector.broadcast %eq3A_464 : i32 to vector<16xi32>
      %eq3A_466 = arith.cmpi eq, %iota3A, %eq3A_465 : vector<16xi32>
      %select_n3A_467 = arith.select %eq3A_466, %gather3A_463, %select_n3A_447 : vector<16xi1>, vector<16xf32>
      %get3A_468 = arith.constant 96 : index
      %get3A_469 = tpu.vector_load %arg10[%get3A_468] {strides = array<i32>} : memref<256xf32, #tpu.memory_space<vmem>>, vector<16xf32>,
      %get3A_470 = vector.shape_cast %get3A_469 : vector<16xf32> to vector<16xf32>
      %slice3A_471 = vector.extract_strided_slice %and3A_18 {offsets = [6], sizes = [1], strides = [1]} : vector<16xi32> to vector<1xi32>
      %squeeze3A_472 = vector.extract %slice3A_471[0] : i32 from vector<1xi32>
      %broadcast_in_dim3A_473 = vector.broadcast %squeeze3A_472 : i32 to vector<16xi32>
      %lt3A_474 = arith.constant 0 : i32
      %lt3A_475 = vector.broadcast %lt3A_474 : i32 to vector<16xi32>
      %lt3A_476 = arith.cmpi slt, %broadcast_in_dim3A_473, %lt3A_475 : vector<16xi32>
      %add3A_477 = arith.constant 16 : i32
      %add3A_478 = vector.broadcast %add3A_477 : i32 to vector<16xi32>
      %add3A_479 = arith.addi %broadcast_in_dim3A_473, %add3A_478 : vector<16xi32>
      %select_n3A_480 = arith.select %lt3A_476, %add3A_479, %broadcast_in_dim3A_473 : vector<16xi1>, vector<16xi32>
      %broadcast_in_dim3A_481 = vector.shape_cast %select_n3A_480 : vector<16xi32> to vector<16x1xi32>
      %gather3A_482 = vector.shape_cast %broadcast_in_dim3A_481 : vector<16x1xi32> to vector<16xi32>
      %gather3A_483 = tpu.dynamic_gather %get3A_470[%gather3A_482] in [0] : vector<16xf32>, vector<16xi32> -> vector<16xf32>
      %eq3A_484 = arith.constant 6 : i32
      %eq3A_485 = vector.broadcast %eq3A_484 : i32 to vector<16xi32>
      %eq3A_486 = arith.cmpi eq, %iota3A, %eq3A_485 : vector<16xi32>
      %select_n3A_487 = arith.select %eq3A_486, %gather3A_483, %select_n3A_467 : vector<16xi1>, vector<16xf32>
      %get3A_488 = arith.constant 112 : index
      %get3A_489 = tpu.vector_load %arg10[%get3A_488] {strides = array<i32>} : memref<256xf32, #tpu.memory_space<vmem>>, vector<16xf32>,
      %get3A_490 = vector.shape_cast %get3A_489 : vector<16xf32> to vector<16xf32>
      %slice3A_491 = vector.extract_strided_slice %and3A_18 {offsets = [7], sizes = [1], strides = [1]} : vector<16xi32> to vector<1xi32>
      %squeeze3A_492 = vector.extract %slice3A_491[0] : i32 from vector<1xi32>
      %broadcast_in_dim3A_493 = vector.broadcast %squeeze3A_492 : i32 to vector<16xi32>
      %lt3A_494 = arith.constant 0 : i32
      %lt3A_495 = vector.broadcast %lt3A_494 : i32 to vector<16xi32>
      %lt3A_496 = arith.cmpi slt, %broadcast_in_dim3A_493, %lt3A_495 : vector<16xi32>
      %add3A_497 = arith.constant 16 : i32
      %add3A_498 = vector.broadcast %add3A_497 : i32 to vector<16xi32>
      %add3A_499 = arith.addi %broadcast_in_dim3A_493, %add3A_498 : vector<16xi32>
      %select_n3A_500 = arith.select %lt3A_496, %add3A_499, %broadcast_in_dim3A_493 : vector<16xi1>, vector<16xi32>
      %broadcast_in_dim3A_501 = vector.shape_cast %select_n3A_500 : vector<16xi32> to vector<16x1xi32>
      %gather3A_502 = vector.shape_cast %broadcast_in_dim3A_501 : vector<16x1xi32> to vector<16xi32>
      %gather3A_503 = tpu.dynamic_gather %get3A_490[%gather3A_502] in [0] : vector<16xf32>, vector<16xi32> -> vector<16xf32>
      %eq3A_504 = arith.constant 7 : i32
      %eq3A_505 = vector.broadcast %eq3A_504 : i32 to vector<16xi32>
      %eq3A_506 = arith.cmpi eq, %iota3A, %eq3A_505 : vector<16xi32>
      %select_n3A_507 = arith.select %eq3A_506, %gather3A_503, %select_n3A_487 : vector<16xi1>, vector<16xf32>
      %get3A_508 = arith.constant 128 : index
      %get3A_509 = tpu.vector_load %arg10[%get3A_508] {strides = array<i32>} : memref<256xf32, #tpu.memory_space<vmem>>, vector<16xf32>,
      %get3A_510 = vector.shape_cast %get3A_509 : vector<16xf32> to vector<16xf32>
      %slice3A_511 = vector.extract_strided_slice %and3A_18 {offsets = [8], sizes = [1], strides = [1]} : vector<16xi32> to vector<1xi32>
      %squeeze3A_512 = vector.extract %slice3A_511[0] : i32 from vector<1xi32>
      %broadcast_in_dim3A_513 = vector.broadcast %squeeze3A_512 : i32 to vector<16xi32>
      %lt3A_514 = arith.constant 0 : i32
      %lt3A_515 = vector.broadcast %lt3A_514 : i32 to vector<16xi32>
      %lt3A_516 = arith.cmpi slt, %broadcast_in_dim3A_513, %lt3A_515 : vector<16xi32>
      %add3A_517 = arith.constant 16 : i32
      %add3A_518 = vector.broadcast %add3A_517 : i32 to vector<16xi32>
      %add3A_519 = arith.addi %broadcast_in_dim3A_513, %add3A_518 : vector<16xi32>
      %select_n3A_520 = arith.select %lt3A_516, %add3A_519, %broadcast_in_dim3A_513 : vector<16xi1>, vector<16xi32>
      %broadcast_in_dim3A_521 = vector.shape_cast %select_n3A_520 : vector<16xi32> to vector<16x1xi32>
      %gather3A_522 = vector.shape_cast %broadcast_in_dim3A_521 : vector<16x1xi32> to vector<16xi32>
      %gather3A_523 = tpu.dynamic_gather %get3A_510[%gather3A_522] in [0] : vector<16xf32>, vector<16xi32> -> vector<16xf32>
      %eq3A_524 = arith.constant 8 : i32
      %eq3A_525 = vector.broadcast %eq3A_524 : i32 to vector<16xi32>
      %eq3A_526 = arith.cmpi eq, %iota3A, %eq3A_525 : vector<16xi32>
      %select_n3A_527 = arith.select %eq3A_526, %gather3A_523, %select_n3A_507 : vector<16xi1>, vector<16xf32>
      %get3A_528 = arith.constant 144 : index
      %get3A_529 = tpu.vector_load %arg10[%get3A_528] {strides = array<i32>} : memref<256xf32, #tpu.memory_space<vmem>>, vector<16xf32>,
      %get3A_530 = vector.shape_cast %get3A_529 : vector<16xf32> to vector<16xf32>
      %slice3A_531 = vector.extract_strided_slice %and3A_18 {offsets = [9], sizes = [1], strides = [1]} : vector<16xi32> to vector<1xi32>
      %squeeze3A_532 = vector.extract %slice3A_531[0] : i32 from vector<1xi32>
      %broadcast_in_dim3A_533 = vector.broadcast %squeeze3A_532 : i32 to vector<16xi32>
      %lt3A_534 = arith.constant 0 : i32
      %lt3A_535 = vector.broadcast %lt3A_534 : i32 to vector<16xi32>
      %lt3A_536 = arith.cmpi slt, %broadcast_in_dim3A_533, %lt3A_535 : vector<16xi32>
      %add3A_537 = arith.constant 16 : i32
      %add3A_538 = vector.broadcast %add3A_537 : i32 to vector<16xi32>
      %add3A_539 = arith.addi %broadcast_in_dim3A_533, %add3A_538 : vector<16xi32>
      %select_n3A_540 = arith.select %lt3A_536, %add3A_539, %broadcast_in_dim3A_533 : vector<16xi1>, vector<16xi32>
      %broadcast_in_dim3A_541 = vector.shape_cast %select_n3A_540 : vector<16xi32> to vector<16x1xi32>
      %gather3A_542 = vector.shape_cast %broadcast_in_dim3A_541 : vector<16x1xi32> to vector<16xi32>
      %gather3A_543 = tpu.dynamic_gather %get3A_530[%gather3A_542] in [0] : vector<16xf32>, vector<16xi32> -> vector<16xf32>
      %eq3A_544 = arith.constant 9 : i32
      %eq3A_545 = vector.broadcast %eq3A_544 : i32 to vector<16xi32>
      %eq3A_546 = arith.cmpi eq, %iota3A, %eq3A_545 : vector<16xi32>
      %select_n3A_547 = arith.select %eq3A_546, %gather3A_543, %select_n3A_527 : vector<16xi1>, vector<16xf32>
      %get3A_548 = arith.constant 160 : index
      %get3A_549 = tpu.vector_load %arg10[%get3A_548] {strides = array<i32>} : memref<256xf32, #tpu.memory_space<vmem>>, vector<16xf32>,
      %get3A_550 = vector.shape_cast %get3A_549 : vector<16xf32> to vector<16xf32>
      %slice3A_551 = vector.extract_strided_slice %and3A_18 {offsets = [10], sizes = [1], strides = [1]} : vector<16xi32> to vector<1xi32>
      %squeeze3A_552 = vector.extract %slice3A_551[0] : i32 from vector<1xi32>
      %broadcast_in_dim3A_553 = vector.broadcast %squeeze3A_552 : i32 to vector<16xi32>
      %lt3A_554 = arith.constant 0 : i32
      %lt3A_555 = vector.broadcast %lt3A_554 : i32 to vector<16xi32>
      %lt3A_556 = arith.cmpi slt, %broadcast_in_dim3A_553, %lt3A_555 : vector<16xi32>
      %add3A_557 = arith.constant 16 : i32
      %add3A_558 = vector.broadcast %add3A_557 : i32 to vector<16xi32>
      %add3A_559 = arith.addi %broadcast_in_dim3A_553, %add3A_558 : vector<16xi32>
      %select_n3A_560 = arith.select %lt3A_556, %add3A_559, %broadcast_in_dim3A_553 : vector<16xi1>, vector<16xi32>
      %broadcast_in_dim3A_561 = vector.shape_cast %select_n3A_560 : vector<16xi32> to vector<16x1xi32>
      %gather3A_562 = vector.shape_cast %broadcast_in_dim3A_561 : vector<16x1xi32> to vector<16xi32>
      %gather3A_563 = tpu.dynamic_gather %get3A_550[%gather3A_562] in [0] : vector<16xf32>, vector<16xi32> -> vector<16xf32>
      %eq3A_564 = arith.constant 10 : i32
      %eq3A_565 = vector.broadcast %eq3A_564 : i32 to vector<16xi32>
      %eq3A_566 = arith.cmpi eq, %iota3A, %eq3A_565 : vector<16xi32>
      %select_n3A_567 = arith.select %eq3A_566, %gather3A_563, %select_n3A_547 : vector<16xi1>, vector<16xf32>
      %get3A_568 = arith.constant 176 : index
      %get3A_569 = tpu.vector_load %arg10[%get3A_568] {strides = array<i32>} : memref<256xf32, #tpu.memory_space<vmem>>, vector<16xf32>,
      %get3A_570 = vector.shape_cast %get3A_569 : vector<16xf32> to vector<16xf32>
      %slice3A_571 = vector.extract_strided_slice %and3A_18 {offsets = [11], sizes = [1], strides = [1]} : vector<16xi32> to vector<1xi32>
      %squeeze3A_572 = vector.extract %slice3A_571[0] : i32 from vector<1xi32>
      %broadcast_in_dim3A_573 = vector.broadcast %squeeze3A_572 : i32 to vector<16xi32>
      %lt3A_574 = arith.constant 0 : i32
      %lt3A_575 = vector.broadcast %lt3A_574 : i32 to vector<16xi32>
      %lt3A_576 = arith.cmpi slt, %broadcast_in_dim3A_573, %lt3A_575 : vector<16xi32>
      %add3A_577 = arith.constant 16 : i32
      %add3A_578 = vector.broadcast %add3A_577 : i32 to vector<16xi32>
      %add3A_579 = arith.addi %broadcast_in_dim3A_573, %add3A_578 : vector<16xi32>
      %select_n3A_580 = arith.select %lt3A_576, %add3A_579, %broadcast_in_dim3A_573 : vector<16xi1>, vector<16xi32>
      %broadcast_in_dim3A_581 = vector.shape_cast %select_n3A_580 : vector<16xi32> to vector<16x1xi32>
      %gather3A_582 = vector.shape_cast %broadcast_in_dim3A_581 : vector<16x1xi32> to vector<16xi32>
      %gather3A_583 = tpu.dynamic_gather %get3A_570[%gather3A_582] in [0] : vector<16xf32>, vector<16xi32> -> vector<16xf32>
      %eq3A_584 = arith.constant 11 : i32
      %eq3A_585 = vector.broadcast %eq3A_584 : i32 to vector<16xi32>
      %eq3A_586 = arith.cmpi eq, %iota3A, %eq3A_585 : vector<16xi32>
      %select_n3A_587 = arith.select %eq3A_586, %gather3A_583, %select_n3A_567 : vector<16xi1>, vector<16xf32>
      %get3A_588 = arith.constant 192 : index
      %get3A_589 = tpu.vector_load %arg10[%get3A_588] {strides = array<i32>} : memref<256xf32, #tpu.memory_space<vmem>>, vector<16xf32>,
      %get3A_590 = vector.shape_cast %get3A_589 : vector<16xf32> to vector<16xf32>
      %slice3A_591 = vector.extract_strided_slice %and3A_18 {offsets = [12], sizes = [1], strides = [1]} : vector<16xi32> to vector<1xi32>
      %squeeze3A_592 = vector.extract %slice3A_591[0] : i32 from vector<1xi32>
      %broadcast_in_dim3A_593 = vector.broadcast %squeeze3A_592 : i32 to vector<16xi32>
      %lt3A_594 = arith.constant 0 : i32
      %lt3A_595 = vector.broadcast %lt3A_594 : i32 to vector<16xi32>
      %lt3A_596 = arith.cmpi slt, %broadcast_in_dim3A_593, %lt3A_595 : vector<16xi32>
      %add3A_597 = arith.constant 16 : i32
      %add3A_598 = vector.broadcast %add3A_597 : i32 to vector<16xi32>
      %add3A_599 = arith.addi %broadcast_in_dim3A_593, %add3A_598 : vector<16xi32>
      %select_n3A_600 = arith.select %lt3A_596, %add3A_599, %broadcast_in_dim3A_593 : vector<16xi1>, vector<16xi32>
      %broadcast_in_dim3A_601 = vector.shape_cast %select_n3A_600 : vector<16xi32> to vector<16x1xi32>
      %gather3A_602 = vector.shape_cast %broadcast_in_dim3A_601 : vector<16x1xi32> to vector<16xi32>
      %gather3A_603 = tpu.dynamic_gather %get3A_590[%gather3A_602] in [0] : vector<16xf32>, vector<16xi32> -> vector<16xf32>
      %eq3A_604 = arith.constant 12 : i32
      %eq3A_605 = vector.broadcast %eq3A_604 : i32 to vector<16xi32>
      %eq3A_606 = arith.cmpi eq, %iota3A, %eq3A_605 : vector<16xi32>
      %select_n3A_607 = arith.select %eq3A_606, %gather3A_603, %select_n3A_587 : vector<16xi1>, vector<16xf32>
      %get3A_608 = arith.constant 208 : index
      %get3A_609 = tpu.vector_load %arg10[%get3A_608] {strides = array<i32>} : memref<256xf32, #tpu.memory_space<vmem>>, vector<16xf32>,
      %get3A_610 = vector.shape_cast %get3A_609 : vector<16xf32> to vector<16xf32>
      %slice3A_611 = vector.extract_strided_slice %and3A_18 {offsets = [13], sizes = [1], strides = [1]} : vector<16xi32> to vector<1xi32>
      %squeeze3A_612 = vector.extract %slice3A_611[0] : i32 from vector<1xi32>
      %broadcast_in_dim3A_613 = vector.broadcast %squeeze3A_612 : i32 to vector<16xi32>
      %lt3A_614 = arith.constant 0 : i32
      %lt3A_615 = vector.broadcast %lt3A_614 : i32 to vector<16xi32>
      %lt3A_616 = arith.cmpi slt, %broadcast_in_dim3A_613, %lt3A_615 : vector<16xi32>
      %add3A_617 = arith.constant 16 : i32
      %add3A_618 = vector.broadcast %add3A_617 : i32 to vector<16xi32>
      %add3A_619 = arith.addi %broadcast_in_dim3A_613, %add3A_618 : vector<16xi32>
      %select_n3A_620 = arith.select %lt3A_616, %add3A_619, %broadcast_in_dim3A_613 : vector<16xi1>, vector<16xi32>
      %broadcast_in_dim3A_621 = vector.shape_cast %select_n3A_620 : vector<16xi32> to vector<16x1xi32>
      %gather3A_622 = vector.shape_cast %broadcast_in_dim3A_621 : vector<16x1xi32> to vector<16xi32>
      %gather3A_623 = tpu.dynamic_gather %get3A_610[%gather3A_622] in [0] : vector<16xf32>, vector<16xi32> -> vector<16xf32>
      %eq3A_624 = arith.constant 13 : i32
      %eq3A_625 = vector.broadcast %eq3A_624 : i32 to vector<16xi32>
      %eq3A_626 = arith.cmpi eq, %iota3A, %eq3A_625 : vector<16xi32>
      %select_n3A_627 = arith.select %eq3A_626, %gather3A_623, %select_n3A_607 : vector<16xi1>, vector<16xf32>
      %get3A_628 = arith.constant 224 : index
      %get3A_629 = tpu.vector_load %arg10[%get3A_628] {strides = array<i32>} : memref<256xf32, #tpu.memory_space<vmem>>, vector<16xf32>,
      %get3A_630 = vector.shape_cast %get3A_629 : vector<16xf32> to vector<16xf32>
      %slice3A_631 = vector.extract_strided_slice %and3A_18 {offsets = [14], sizes = [1], strides = [1]} : vector<16xi32> to vector<1xi32>
      %squeeze3A_632 = vector.extract %slice3A_631[0] : i32 from vector<1xi32>
      %broadcast_in_dim3A_633 = vector.broadcast %squeeze3A_632 : i32 to vector<16xi32>
      %lt3A_634 = arith.constant 0 : i32
      %lt3A_635 = vector.broadcast %lt3A_634 : i32 to vector<16xi32>
      %lt3A_636 = arith.cmpi slt, %broadcast_in_dim3A_633, %lt3A_635 : vector<16xi32>
      %add3A_637 = arith.constant 16 : i32
      %add3A_638 = vector.broadcast %add3A_637 : i32 to vector<16xi32>
      %add3A_639 = arith.addi %broadcast_in_dim3A_633, %add3A_638 : vector<16xi32>
      %select_n3A_640 = arith.select %lt3A_636, %add3A_639, %broadcast_in_dim3A_633 : vector<16xi1>, vector<16xi32>
      %broadcast_in_dim3A_641 = vector.shape_cast %select_n3A_640 : vector<16xi32> to vector<16x1xi32>
      %gather3A_642 = vector.shape_cast %broadcast_in_dim3A_641 : vector<16x1xi32> to vector<16xi32>
      %gather3A_643 = tpu.dynamic_gather %get3A_630[%gather3A_642] in [0] : vector<16xf32>, vector<16xi32> -> vector<16xf32>
      %eq3A_644 = arith.constant 14 : i32
      %eq3A_645 = vector.broadcast %eq3A_644 : i32 to vector<16xi32>
      %eq3A_646 = arith.cmpi eq, %iota3A, %eq3A_645 : vector<16xi32>
      %select_n3A_647 = arith.select %eq3A_646, %gather3A_643, %select_n3A_627 : vector<16xi1>, vector<16xf32>
      %get3A_648 = arith.constant 240 : index
      %get3A_649 = tpu.vector_load %arg10[%get3A_648] {strides = array<i32>} : memref<256xf32, #tpu.memory_space<vmem>>, vector<16xf32>,
      %get3A_650 = vector.shape_cast %get3A_649 : vector<16xf32> to vector<16xf32>
      %slice3A_651 = vector.extract_strided_slice %and3A_18 {offsets = [15], sizes = [1], strides = [1]} : vector<16xi32> to vector<1xi32>
      %squeeze3A_652 = vector.extract %slice3A_651[0] : i32 from vector<1xi32>
      %broadcast_in_dim3A_653 = vector.broadcast %squeeze3A_652 : i32 to vector<16xi32>
      %lt3A_654 = arith.constant 0 : i32
      %lt3A_655 = vector.broadcast %lt3A_654 : i32 to vector<16xi32>
      %lt3A_656 = arith.cmpi slt, %broadcast_in_dim3A_653, %lt3A_655 : vector<16xi32>
      %add3A_657 = arith.constant 16 : i32
      %add3A_658 = vector.broadcast %add3A_657 : i32 to vector<16xi32>
      %add3A_659 = arith.addi %broadcast_in_dim3A_653, %add3A_658 : vector<16xi32>
      %select_n3A_660 = arith.select %lt3A_656, %add3A_659, %broadcast_in_dim3A_653 : vector<16xi1>, vector<16xi32>
      %broadcast_in_dim3A_661 = vector.shape_cast %select_n3A_660 : vector<16xi32> to vector<16x1xi32>
      %gather3A_662 = vector.shape_cast %broadcast_in_dim3A_661 : vector<16x1xi32> to vector<16xi32>
      %gather3A_663 = tpu.dynamic_gather %get3A_650[%gather3A_662] in [0] : vector<16xf32>, vector<16xi32> -> vector<16xf32>
      %eq3A_664 = arith.constant 15 : i32
      %eq3A_665 = vector.broadcast %eq3A_664 : i32 to vector<16xi32>
      %eq3A_666 = arith.cmpi eq, %iota3A, %eq3A_665 : vector<16xi32>
      %select_n3A_667 = arith.select %eq3A_666, %gather3A_663, %select_n3A_647 : vector<16xi1>, vector<16xf32>
      %swap3A = arith.constant 0 : index
      %swap3A_668 = tpu.vector_load %arg11[%swap3A] {strides = array<i32>} : memref<16xf32, #tpu.memory_space<vmem>>, vector<16xf32>,
      %swap3A_669 = vector.shape_cast %swap3A_668 : vector<16xf32> to vector<16xf32>
      %swap3A_670 = vector.shape_cast %select_n3A_667 : vector<16xf32> to vector<16xf32>
      tpu.vector_store %arg11[%swap3A], %swap3A_670 {strides = array<i32>} : memref<16xf32, #tpu.memory_space<vmem>>, vector<16xf32>,
      "tpu.region"() ({
        %run_scoped3A = tpu.sem_alloc : memref<!tpu.dma_semaphore, #tpu.memory_space<semaphore_mem>>
        %dma_start3A_671 = tpu.memref_slice %arg6[%mul3A_2] : memref<64xf32, #tpu.memory_space<hbm>> -> memref<16xf32, #tpu.memory_space<hbm>>
        %dma_start3A_672 = tpu.memref_slice %arg6[%mul3A_2] : memref<64xf32, #tpu.memory_space<hbm>> -> memref<16xf32, #tpu.memory_space<hbm>>
        tpu.enqueue_dma source(%arg11 : memref<16xf32, #tpu.memory_space<vmem>>) target(%dma_start3A_672 : memref<16xf32, #tpu.memory_space<hbm>>) target_semaphore(%run_scoped3A : memref<!tpu.dma_semaphore, #tpu.memory_space<semaphore_mem>>)
        %dma_wait3A_673 = tpu.memref_slice %arg6[%mul3A_2] : memref<64xf32, #tpu.memory_space<hbm>> -> memref<16xf32, #tpu.memory_space<hbm>>
        %dma_wait3A_674 = tpu.memref_slice %arg6[%mul3A_2] : memref<64xf32, #tpu.memory_space<hbm>> -> memref<16xf32, #tpu.memory_space<hbm>>
        tpu.wait_dma2 semaphore(%run_scoped3A : memref<!tpu.dma_semaphore, #tpu.memory_space<semaphore_mem>>) src(%arg11 : memref<16xf32, #tpu.memory_space<vmem>>) dst(%dma_wait3A_674 : memref<16xf32, #tpu.memory_space<hbm>>)
        tpu.yield
      }) : () -> ()
    } else {
    }
    return
  }
}

</mosaic_0001>

<sc_bundles>
// kernel: kernel.3.cloned.1.call-start
scs
__scs_entry_jumppad:
0x0: {  	(pc) =	sbr.rel $0x88, $3  }
0x1: {  	(tag) =	ssettag $0x0;
	lr =	simm.s32 $0x1  }
0x2: {  	[smem:$0x3F9D] =	sst lr;
	_ =	strace $0xD0000000  }
0x3: {  	_ = 	snop  }
0x4: {  	_ = 	snop  }
0x5: {  	_ = 	snop  }
0x6: {  	_ = 	snop  }
0x7: {  	_ = 	snop  }
__scs_overlays_trampoline_lowered:
0x8: {  	[smem:$0x3FAC] =	sst s0  }
0x9: {  	[smem:$0x3FAD] =	sst s1  }
0xa: {  	[smem:$0x3FAE] =	sst s2  }
0xb: {  	[smem:$0x3FAF] =	sst s3  }
0xc: {  	[smem:$0x3FB0] =	sst s4  }
0xd: {  	[smem:$0x3FB1] =	sst s5  }
0xe: {  	[smem:$0x3FB2] =	sst s6  }
0xf: {  	[smem:$0x3FB3] =	sst s7  }
0x10: {  	[smem:$0x3FB4] =	sst s8  }
0x11: {  	[smem:$0x3FB5] =	sst s9;
	s0 =	simm.s32 @!p0 $0x0  }
0x12: {  	s1 =	sld [smem:$0x3F9B];
	s0 =	simm.s32 @p0 $0x1  }
0x13: {  	[smem:$0x3FB6] =	sst s0;
	s0 =	simm.s32 @!p1 $0x0  }
0x14: {  	s2 =	sld [smem:$0x3F9A];
	s0 =	simm.s32 @p1 $0x1  }
0x15: {  	[smem:$0x3FB7] =	sst s0;
	s0 =	simm.s32 @!p2 $0x0  }
0x16: {  	s3 =	sld [smem:$0x3FDB];
	s0 =	simm.s32 @p2 $0x1  }
0x17: {  	s4 =	simm.s32 $0x1BF5;
	[smem:$0x3FB9] =	sst s0  }
0x18: {  	s0 =	sld [smem:$0x3F9C];
	_ =	swait.ge [sflag:s4], $0x0  }
0x19: {  	s7 =	sld [smem:$0x3F9D]  }
0x1a: {  	s8 =	sadd.s32 $0xFFFFE003, lr  }
0x1b: {  	s9 =	sadd.s32 $0xFFFFFEF7, lr;
	s5 =	simm.s32 $0xFFFFFFFF;
	p2 =	slt.u32 s8, $0xFFFFF086  }
0x1c: {  	p1 =	slt.u32 s9, $0xF7A;
	s5 =	simm.s32 @!p2 $0x0  }
0x1d: {  	s5 =	simm.s32 @p1 $0x1;
	p0 =	seq.s32 s7, s2  }
0x1e: {  	s7 =	smul.u32 @!p0 $0xF7A, s2;
	p2 =	seq.s32 @!p0 s5, $0x0  }
0x1f: {  	s9 =	smul.u32 $0xF7A, s1;
	s8 =	simm.s32 @!p0 $0x1BF5;
	p2 =	por !p2, p0  }
0x20: {  	[sflag:s8] =	ssyncset.s32 @!p0 $0xFFFFF086;
	s6 =	sadd.s32 @!p0 s3, s7;
	s7 =	simm.s32 @!p0 $0x108  }
0x21: {  	s3 =	sadd.s32 s3, s9;
	s6 =	sadd.s32 @!p0 $0x88, s6;
	s7 =	simm.s32 @p2 $0x1082  }
0x22: {  	[simem:s7], [sflag:s8] =	dma.local @!p0 [hbm:s6], $0xF7A  }
0x23: {  	s9 =	sor.u32 $0xD0000000, s2;
	s6 =	simm.s32 $0x108;
	_ =	swait.ge @!p0 [sflag:s8], $0x0  }
0x24: {  	s3 =	sadd.s32 $0x88, s3;
	s6 =	simm.s32 @!p1 $0x1082;
	[sflag:s4] =	ssyncset.s32 $0xFFFFF086  }
0x25: {  	[simem:s6], [sflag:s4] =	dma.local [hbm:s3], $0xF7A  }
0x26: {  	[smem:$0x3F9D] =	sst s1;
	(tag) =	ssettag s2;
	_ =	strace s9  }
0x27: {  	s1 =	sld [smem:$0x3FAD]  }
0x28: {  	s2 =	sld [smem:$0x3FAE]  }
0x29: {  	s4 =	sld [smem:$0x3FB0]  }
0x2a: {  	p0 =	seq.s32 s5, $0x0;
	s5 =	sld [smem:$0x3FB1]  }
0x2b: {  	s6 =	sld [smem:$0x3FB2]  }
0x2c: {  	s7 =	sld [smem:$0x3FB3]  }
0x2d: {  	s3 =	simm.s32 $0x108;
	s8 =	sld [smem:$0x3FB4]  }
0x2e: {  	s3 =	simm.s32 @!p0 $0x1082;
	s9 =	sld [smem:$0x3FB5]  }
0x2f: {  	lr =	sadd.s32 s0, s3;
	s0 =	sld [smem:$0x3FAC]  }
0x30: {  	s3 =	sld [smem:$0x3FAF]  }
0x31: {  	[smem:$0x3FB8] =	sst s10  }
0x32: {  	s10 =	sld [smem:$0x3FB6];
	_ =	sdelay $0x3  }
0x33: {  	p0 =	seq.s32 s10, $0x1;
	s10 =	sld [smem:$0x3FB8];
	_ =	sdelay $0x3  }
0x34: {  	[smem:$0x3FB8] =	sst s10  }
0x35: {  	s10 =	sld [smem:$0x3FB7];
	_ =	sdelay $0x3  }
0x36: {  	p1 =	seq.s32 s10, $0x1;
	s10 =	sld [smem:$0x3FB8];
	_ =	sdelay $0x3  }
0x37: {  	[smem:$0x3FB8] =	sst s10  }
0x38: {  	s10 =	sld [smem:$0x3FB9]  }
0x39: {  	_ = 	snop;
	(pc) =	sbr.ind lr, $3  }
0x3a: {  	_ = 	snop  }
0x3b: {  	_ = 	snop  }
0x3c: {  	p2 =	seq.s32 s10, $0x1;
	s10 =	sld [smem:$0x3FB8]  }
0x3d: {  	_ =	shalt  }
0x3e: {  	_ =	shalt  }
0x3f: {  	_ =	shalt  }
0x40: {  	_ =	shalt  }
0x41: {  	_ =	shalt  }
0x42: {  	_ =	shalt  }
0x43: {  	_ =	shalt  }
0x44: {  	_ =	shalt  }
0x45: {  	_ =	shalt  }
0x46: {  	_ =	shalt  }
0x47: {  	_ =	shalt  }
0x48: {  	_ =	shalt  }
0x49: {  	_ =	shalt  }
0x4a: {  	_ =	shalt  }
0x4b: {  	_ =	shalt  }
0x4c: {  	_ =	shalt  }
0x4d: {  	_ =	shalt  }
0x4e: {  	_ =	shalt  }
0x4f: {  	_ =	shalt  }
0x50: {  	_ =	shalt  }
0x51: {  	_ =	shalt  }
0x52: {  	_ =	shalt  }
0x53: {  	_ =	shalt  }
0x54: {  	_ =	shalt  }
0x55: {  	_ =	shalt  }
0x56: {  	_ =	shalt  }
0x57: {  	_ =	shalt  }
0x58: {  	_ =	shalt  }
0x59: {  	_ =	shalt  }
0x5a: {  	_ =	shalt  }
0x5b: {  	_ =	shalt  }
0x5c: {  	_ =	shalt  }
0x5d: {  	_ =	shalt  }
0x5e: {  	_ =	shalt  }
0x5f: {  	_ =	shalt  }
0x60: {  	_ =	shalt  }
0x61: {  	_ =	shalt  }
0x62: {  	_ =	shalt  }
0x63: {  	_ =	shalt  }
0x64: {  	_ =	shalt  }
0x65: {  	_ =	shalt  }
0x66: {  	_ =	shalt  }
0x67: {  	_ =	shalt  }
0x68: {  	_ =	shalt  }
0x69: {  	_ =	shalt  }
0x6a: {  	_ =	shalt  }
0x6b: {  	_ =	shalt  }
0x6c: {  	_ =	shalt  }
0x6d: {  	_ =	shalt  }
0x6e: {  	_ =	shalt  }
0x6f: {  	_ =	shalt  }
0x70: {  	_ =	shalt  }
0x71: {  	_ =	shalt  }
0x72: {  	_ =	shalt  }
0x73: {  	_ =	shalt  }
0x74: {  	_ =	shalt  }
0x75: {  	_ =	shalt  }
0x76: {  	_ =	shalt  }
0x77: {  	_ =	shalt  }
0x78: {  	_ =	shalt  }
0x79: {  	_ =	shalt  }
0x7a: {  	_ =	shalt  }
0x7b: {  	_ =	shalt  }
0x7c: {  	_ =	shalt  }
0x7d: {  	_ =	shalt  }
0x7e: {  	_ =	shalt  }
0x7f: {  	_ =	shalt  }
0x80: {  	_ =	shalt  }
0x81: {  	_ =	shalt  }
0x82: {  	_ =	shalt  }
0x83: {  	_ =	shalt  }
0x84: {  	_ =	shalt  }
0x85: {  	_ =	shalt  }
0x86: {  	_ =	shalt  }
0x87: {  	_ =	shalt  }
.Lfunc_end0:
.L_simem_size_0:
called_computation_lowered:
.L_overlay_start_0:
0x88: {  	s0 =	sld [smem:$0x3FD9]  }
0x89: {  	s1 =	sld [smem:$0x3FFE];
	_ =	sdelay $0x3  }
0x8a: {  	s0 =	sadd.s32 s1, s0  }
0x8b: {  	[smem:$0x3FC4] =	sst s0  }
0x8c: {  	_ = 	snop  }
0x8d: {  	s0 =	sld [smem:$0x3FC9]  }
0x8e: {  	s17 =	sld [smem:$0x3FC8]  }
0x8f: {  	s2 =	sld [smem:$0x3FC7]  }
0x90: {  	s3 =	sld [smem:$0x3FC6]  }
0x91: {  	s4 =	sld [smem:$0x3FD0];
	(tm) =	ssettm $0x1  }
0x92: {  	s5 =	sld [smem:$0x3FFB];
	_ =	sdelay $0x3  }
0x93: {  	_ =	strace s5  }
0x94: {  	s5 =	sld [smem:$0x3FFC];
	_ =	sdelay $0x3  }
0x95: {  	_ =	strace s5  }
0x96: {  	s5 =	sld [smem:$0x3FFD];
	_ =	sdelay $0x3  }
0x97: {  	_ =	strace s5  }
0x98: {  	_ =	strace $0x8FFFFFFF  }
0x99: {  	s18 =	sld [smem:$0x3FDB];
	_ =	sdelay $0x1  }
0x9a: {  	s6 =	simm.s32 $_scs_section_size  }
0x9b: {  	s7 =	simm.s32 $_size__tile_overlayer_lowered;
	s8 =	simm.s32 $_tile_overlayer_lowered  }
0x9c: {  	s21 =	simm.s32 $0x1BFF;
	s20 =	sshll.u32 s8, $0x1;
	s5 =	sadd.s32 s6, s18  }
0x9d: {  	s9 =	simm.s32 $0x0;
	s19 =	sshll.u32 s7, $0x1;
	s7 =	sadd.s32 s20, s5  }
0x9e: {  	[timem:s9], [sflag:s21] =	dma.local [hbm:s7], s19  }
0x9f: {  	_ =	swait.ge [sflag:s21], s19  }
0xa0: {  	s6 =	ssub.s32 $0x0, s19;
	[sflag:s21] =	ssyncset.done $0x0  }
0xa1: {  	[sflag:s21] =	ssyncadd.s32 s6;
	_ =	sdelay $0x1  }
0xa2: {  	s22 =	simm.s32 $0x1B8B  }
0xa3: {  	_ =	swait.ge [sflag:s22], $0x1  }
0xa4: {  	[sflag:s22] =	ssyncset.done $0x0  }
0xa5: {  	s23 =	simm.s32 $0x1B8E;
	[sflag:s22] =	ssyncadd.s32 $0xFFFFFFFF  }
0xa6: {  	s24 =	simm.s32 $execute0_lowered;
	[smem:$0x3FD2] =	sst s23  }
0xa7: {  	s6 =	sshll.u32 s24, $0x1;
	_ =	strace $0x80000046;
	[dreg:$0x1] =	wrdreg $0xFFFFFFFF  }
0xa8: {  	s25 =	simm.s32 $_size_execute0_lowered;
	s5 =	sadd.s32 s5, s6;
	[dreg:$0x0] =	wrdreg $0x0  }
0xa9: {  	s6 =	sshll.u32 s25, $0x1;
	[dreg:$0x2] =	wrdreg s5  }
0xaa: {  	[dreg:$0x3] =	wrdreg s6  }
0xab: {  	[dreg:$0x4] =	wrdreg $0xC0  }
0xac: {  	_ =	task [dreg:s9], $0x5FFFF  }
0xad: {  	[dreg:$0x1] =	wrdreg $0xFFFFFFFF  }
0xae: {  	[dreg:$0x0] =	wrdreg $0x60  }
0xaf: {  	[dreg:$0x2] =	wrdreg s0  }
0xb0: {  	[dreg:$0x3] =	wrdreg s17  }
0xb1: {  	[dreg:$0x4] =	wrdreg s2  }
0xb2: {  	[dreg:$0x5] =	wrdreg s3  }
0xb3: {  	[dreg:$0x6] =	wrdreg s4  }
0xb4: {  	[dreg:$0x7] =	wrdreg $0x9  }
0xb5: {  	_ =	task.clear_ibuf [dreg:s9], $0x8FFFF;
	_ =	strace $0x90000046  }
0xb6: {  	s26 =	simm.s32 $0x9;
	_ =	strace $0x80000048  }
0xb7: {  	_ =	swait.ge [sflag:s26], $0x1  }
0xb8: {  	[sflag:s26] =	ssyncadd.s32 $0xFFFFFFFF  }
0xb9: {  	_ =	strace $0x90000048  }
0xba: {  	_ =	sfence  }
0xbb: {  	s28 =	sld [smem:$0x0];
	_ =	sdelay $0x1  }
0xbc: {  	s29 =	srdreg.scid  }
0xbd: {  	s30 =	sshll.u32 s29, $0xD;
	s31 =	sshrl.u32 s29, $0x2  }
0xbe: {  	s1 =	sand.u32 $0x1, s29;
	s2 =	sand.u32 $0x4000, s30;
	s0 =	sadd.s32 s31, s28  }
0xbf: {  	s1 =	sor.u32 s2, s1;
	s0 =	sshll.u32 s0, $0x11  }
0xc0: {  	s0 =	sor.u32 s0, s1  }
0xc1: {  	s0 =	sadd.s32 $0x8F2B, s0  }
0xc2: {  	[sflag:s0] =	ssyncadd.remote.s32 $0x1  }
0xc3: {  	_ =	sfence.sel $0xFFFF  }
0xc4: {  	[dreg:$0x0] =	wrdreg $0xFFFFFFFF;
	(pc) =	sbr.abs _section_cstart, $3  }
0xc5: {  	[dreg:$0x1] =	wrdreg $0xFFFFFFFF  }
0xc6: {  	_ =	task.clear_ibuf [dreg:s9], $0x2FFFF;
	_ =	strace $0x9FFFFFFF  }
0xc7: {  	(tm) =	ssettm $0x7FFFFFFF  }
tec
execute0_lowered:
.L_overlay_start_1:
0x0: {  	(tag) =	ssettag $0x1  }
0x1: {  	s4 =	stileid.u32  }
0x2: {  	s6 =	rddreg [dreg:$0x0];
	p0 =	sgt.u32 s4, $0x3  }
.Ltmp0:
0x3: {  	s2 =	rddreg [dreg:$0x1];
	(pc) =	sbr.rel @p0 .LBB2_2-.Ltmp0, $4  }
0x4: {  	s1 =	rddreg [dreg:$0x2]  }
0x5: {  	s0 =	rddreg [dreg:$0x3];
	s10 =	simm.s32 $0x0  }
0x6: {  	[smem:$0x7FF] =	sst s10  }
0x7: {  	s3 =	rddreg [dreg:$0x5];
	_ =	strace $0x80000047  }
0x8: {  	s3 =	sshll.u32 s4, $0x1  }
0x9: {  	s4 =	simm.s32 $0x2;
	[dreg:$0x6] =	wrdreg s3;
	s2 =	sadd.s32 s2, s3  }
0xa: {  	[tilespmem:s10], [sflag:$0x2] =	stream.linear.gather [hbm4b:s2+s10], $0x10, $0x38;
	[tilespmem:$0x300] =	vst v63  }
0xb: {  	_ =	swait.ge [sflag:s4], $0x10  }
0xc: {  	[sflag:s4] =	ssyncset.done $0x0  }
0xd: {  	s5 =	simm.s32 $0x80;
	s1 =	sadd.s32 s1, s3;
	[sflag:s4] =	ssyncadd.s32 $0xFFFFFFF0  }
0xe: {  	[tilespmem:s5], [sflag:$0x2] =	stream.linear.gather [hbm4b:s1+s10], $0x10, $0x38;
	[tilespmem:$0x300] =	vst v63  }
0xf: {  	_ =	swait.ge [sflag:s4], $0x10  }
0x10: {  	[sflag:s4] =	ssyncset.done $0x0  }
0x11: {  	s7 =	simm.s32 $0x100;
	s0 =	sadd.s32 s0, s3;
	[sflag:s4] =	ssyncadd.s32 $0xFFFFFFF0  }
0x12: {  	[tilespmem:s7], [sflag:$0x2] =	stream.linear.gather [hbm4b:s0+s10], $0x10, $0x38;
	[tilespmem:$0x300] =	vst v63  }
0x13: {  	_ =	swait.ge [sflag:s4], $0x10  }
0x14: {  	[sflag:s4] =	ssyncset.done $0x0  }
0x15: {  	[sflag:s4] =	ssyncadd.s32 $0xFFFFFFF0  }
0x16: {  	v1 =	vld [tilespmem:$0x0]  }
0x17: {  	v2 =	vld [tilespmem:$0x80]  }
0x18: {  	v0 =	vld [tilespmem:$0x100];
	_ =	sdelay $0x3  }
0x19: {  	v1 =	vshll.u32 v1, $0xB  }
0x1a: {  	(v2sf) =	vpush v0, $0x2;
	v1 =	vadd.s32 v2, v1  }
0x1b: {  	(v2sf) =	vpush v1, $0x2  }
0x1c: {  	(v2sf) =	vpush v0, $0x3  }
0x1d: {  	(v2sf) =	vpush v1, $0x3  }
0x1e: {  	(v2sf) =	vpush v0, $0x4  }
0x1f: {  	(v2sf) =	vpush v1, $0x4  }
0x20: {  	(v2sf) =	vpush v0, $0x5  }
0x21: {  	(v2sf) =	vpush v1, $0x5  }
0x22: {  	(v2sf) =	vpush v0, $0x6  }
0x23: {  	(v2sf) =	vpush v1, $0x6  }
0x24: {  	(v2sf) =	vpush v0, $0x7  }
0x25: {  	(v2sf) =	vpush v1, $0x7  }
0x26: {  	(v2sf) =	vpush v0, $0x8  }
0x27: {  	(v2sf) =	vpush v1, $0x8  }
0x28: {  	(v2sf) =	vpush v0, $0x9  }
0x29: {  	s1 =	spop (v2sf);
	(v2sf) =	vpush v1, $0x9  }
0x2a: {  	s2 =	spop (v2sf);
	(v2sf) =	vpush v0, $0xA  }
0x2b: {  	s3 =	spop (v2sf);
	(v2sf) =	vpush v1, $0xA  }
0x2c: {  	s0 =	spop (v2sf);
	(v2sf) =	vpush v0, $0xB  }
0x2d: {  	s30 =	spop (v2sf);
	(v2sf) =	vpush v1, $0xB  }
0x2e: {  	s31 =	spop (v2sf);
	(v2sf) =	vpush v0, $0xC  }
0x2f: {  	s28 =	spop (v2sf);
	(v2sf) =	vpush v1, $0xC  }
0x30: {  	s29 =	spop (v2sf);
	(v2sf) =	vpush v0, $0xD  }
0x31: {  	s25 =	spop (v2sf);
	(v2sf) =	vpush v1, $0xD  }
0x32: {  	s26 =	spop (v2sf);
	(v2sf) =	vpush v0, $0xE  }
0x33: {  	s23 =	spop (v2sf);
	(v2sf) =	vpush v1, $0xE  }
0x34: {  	s24 =	spop (v2sf);
	(v2sf) =	vpush v0, $0xF  }
0x35: {  	s21 =	spop (v2sf);
	(v2sf) =	vpush v1, $0xF  }
0x36: {  	s22 =	spop (v2sf);
	(v2sf) =	vpush v1, $0x0  }
0x37: {  	s19 =	spop (v2sf);
	(v2sf) =	vpush v0, $0x0  }
0x38: {  	s20 =	spop (v2sf)  }
0x39: {  	s17 =	spop (v2sf)  }
0x3a: {  	s18 =	spop (v2sf)  }
0x3b: {  	s15 =	spop (v2sf)  }
0x3c: {  	s16 =	spop (v2sf)  }
0x3d: {  	s13 =	spop (v2sf)  }
0x3e: {  	s14 =	spop (v2sf)  }
0x3f: {  	s11 =	spop (v2sf)  }
0x40: {  	(v2sf) =	vpush v1, $0x1;
	s12 =	spop (v2sf)  }
0x41: {  	(v2sf) =	vpush v0, $0x1;
	s5 =	spop (v2sf)  }
0x42: {  	s8 =	spop (v2sf)  }
0x43: {  	s9 =	spop (v2sf)  }
0x44: {  	[dreg:$0x9] =	wrdreg s5;
	s7 =	spop (v2sf)  }
0x45: {  	[dreg:$0xa] =	wrdreg s8;
	s5 =	spop (v2sf)  }
0x46: {  	[dreg:$0x8] =	wrdreg s7;
	s7 =	spop (v2sf)  }
0x47: {  	[dreg:$0x7] =	wrdreg s9;
	s8 =	sshll.u32 s5, $0xB;
	s9 =	sshll.u32 s7, $0x3  }
0x48: {  	s5 =	sshll.u32 s5, $0x7;
	s8 =	sand.u32 $0xFFFFC000, s8;
	s9 =	sand.u32 $0xFFFFFC00, s9  }
0x49: {  	s5 =	sand.u32 $0x380, s5;
	s8 =	sadd.s32 s8, s9  }
0x4a: {  	s7 =	sand.u32 $0x70, s7;
	s5 =	sor.u32 s5, s8  }
0x4b: {  	s5 =	sor.u32 s7, s5  }
0x4c: {  	s5 =	sshrl.u32 s5, $0x3  }
0x4d: {  	s8 =	simm.s32 $0x180;
	s5 =	sadd.s32 s6, s5  }
0x4e: {  	[tilespmem:s8], [sflag:$0x1] =	stream.linear.gather [hbm4b:s5+s10], $0x10, $0x38;
	[tilespmem:$0x300] =	vst v63  }
0x4f: {  	s5 =	spop (v2sf)  }
0x50: {  	s7 =	spop (v2sf)  }
0x51: {  	s8 =	sshll.u32 s5, $0xB;
	s9 =	sshll.u32 s7, $0x3  }
0x52: {  	s5 =	sshll.u32 s5, $0x7;
	s8 =	sand.u32 $0xFFFFC000, s8;
	s9 =	sand.u32 $0xFFFFFC00, s9  }
0x53: {  	s5 =	sand.u32 $0x380, s5;
	s8 =	sadd.s32 s8, s9  }
0x54: {  	s7 =	sand.u32 $0x70, s7;
	s5 =	sor.u32 s5, s8  }
0x55: {  	s5 =	sor.u32 s7, s5  }
0x56: {  	s5 =	sshrl.u32 s5, $0x3  }
0x57: {  	s9 =	simm.s32 $0x190;
	s5 =	sadd.s32 s6, s5  }
0x58: {  	[tilespmem:s9], [sflag:$0x1] =	stream.linear.gather [hbm4b:s5+s10], $0x10, $0x38;
	[tilespmem:$0x300] =	vst v63  }
0x59: {  	s8 =	sshll.u32 s2, $0xB;
	s9 =	sshll.u32 s1, $0x3  }
0x5a: {  	s2 =	sshll.u32 s2, $0x7;
	s5 =	sand.u32 $0xFFFFC000, s8;
	s7 =	sand.u32 $0xFFFFFC00, s9  }
0x5b: {  	s2 =	sand.u32 $0x380, s2;
	s5 =	sadd.s32 s5, s7  }
0x5c: {  	s1 =	sand.u32 $0x70, s1;
	s2 =	sor.u32 s2, s5  }
0x5d: {  	s1 =	sor.u32 s1, s2  }
0x5e: {  	s8 =	sshll.u32 s0, $0xB;
	s1 =	sshrl.u32 s1, $0x3  }
0x5f: {  	s9 =	sshll.u32 s3, $0x3;
	s7 =	simm.s32 $0x1A0;
	s1 =	sadd.s32 s6, s1  }
0x60: {  	[tilespmem:s7], [sflag:$0x1] =	stream.linear.gather [hbm4b:s1+s10], $0x10, $0x38;
	[tilespmem:$0x300] =	vst v63  }
0x61: {  	s0 =	sshll.u32 s0, $0x7;
	s2 =	sand.u32 $0xFFFFFC00, s9;
	s1 =	sand.u32 $0xFFFFC000, s8  }
0x62: {  	s0 =	sand.u32 $0x380, s0;
	s1 =	sadd.s32 s1, s2  }
0x63: {  	s5 =	sand.u32 $0x70, s3;
	s0 =	sor.u32 s0, s1  }
0x64: {  	s0 =	sor.u32 s5, s0  }
0x65: {  	s9 =	sshll.u32 s30, $0x3;
	s0 =	sshrl.u32 s0, $0x3  }
0x66: {  	s7 =	simm.s32 $0x1B0;
	s8 =	sshll.u32 s31, $0xB;
	s0 =	sadd.s32 s6, s0  }
0x67: {  	[tilespmem:s7], [sflag:$0x1] =	stream.linear.gather [hbm4b:s0+s10], $0x10, $0x38;
	[tilespmem:$0x300] =	vst v63  }
0x68: {  	s31 =	sshll.u32 s31, $0x7;
	s1 =	sand.u32 $0xFFFFFC00, s9;
	s0 =	sand.u32 $0xFFFFC000, s8  }
0x69: {  	s2 =	sand.u32 $0x380, s31;
	s0 =	sadd.s32 s0, s1  }
0x6a: {  	s5 =	sand.u32 $0x70, s30;
	s0 =	sor.u32 s2, s0  }
0x6b: {  	s0 =	sor.u32 s5, s0  }
0x6c: {  	s9 =	sshll.u32 s28, $0x3;
	s0 =	sshrl.u32 s0, $0x3  }
0x6d: {  	s7 =	simm.s32 $0x1C0;
	s8 =	sshll.u32 s29, $0xB;
	s0 =	sadd.s32 s6, s0  }
0x6e: {  	[tilespmem:s7], [sflag:$0x1] =	stream.linear.gather [hbm4b:s0+s10], $0x10, $0x38;
	[tilespmem:$0x300] =	vst v63  }
0x6f: {  	s29 =	sshll.u32 s29, $0x7;
	s1 =	sand.u32 $0xFFFFFC00, s9;
	s0 =	sand.u32 $0xFFFFC000, s8  }
0x70: {  	s30 =	sand.u32 $0x380, s29;
	s0 =	sadd.s32 s0, s1  }
0x71: {  	s31 =	sand.u32 $0x70, s28;
	s0 =	sor.u32 s30, s0  }
0x72: {  	s0 =	sor.u32 s31, s0  }
0x73: {  	s2 =	simm.s32 $0x1D0;
	s0 =	sshrl.u32 s0, $0x3  }
0x74: {  	s5 =	sshll.u32 s26, $0xB;
	s7 =	sshll.u32 s25, $0x3;
	s0 =	sadd.s32 s6, s0  }
0x75: {  	[tilespmem:s2], [sflag:$0x1] =	stream.linear.gather [hbm4b:s0+s10], $0x10, $0x38;
	[tilespmem:$0x300] =	vst v63  }
0x76: {  	s8 =	sshll.u32 s26, $0x7;
	s1 =	sand.u32 $0xFFFFFC00, s7;
	s0 =	sand.u32 $0xFFFFC000, s5  }
0x77: {  	s9 =	sand.u32 $0x380, s8;
	s0 =	sadd.s32 s0, s1  }
0x78: {  	s26 =	sand.u32 $0x70, s25;
	s0 =	sor.u32 s9, s0  }
0x79: {  	s0 =	sor.u32 s26, s0  }
0x7a: {  	s28 =	simm.s32 $0x1E0;
	s0 =	sshrl.u32 s0, $0x3  }
0x7b: {  	s29 =	sshll.u32 s24, $0xB;
	s30 =	sshll.u32 s23, $0x3;
	s0 =	sadd.s32 s6, s0  }
0x7c: {  	[tilespmem:s28], [sflag:$0x1] =	stream.linear.gather [hbm4b:s0+s10], $0x10, $0x38;
	[tilespmem:$0x300] =	vst v63  }
0x7d: {  	s31 =	sshll.u32 s24, $0x7;
	s1 =	sand.u32 $0xFFFFFC00, s30;
	s0 =	sand.u32 $0xFFFFC000, s29  }
0x7e: {  	s2 =	sand.u32 $0x380, s31;
	s0 =	sadd.s32 s0, s1  }
0x7f: {  	s5 =	sand.u32 $0x70, s23;
	s0 =	sor.u32 s2, s0  }
0x80: {  	s0 =	sor.u32 s5, s0  }
0x81: {  	s7 =	simm.s32 $0x1F0;
	s0 =	sshrl.u32 s0, $0x3  }
0x82: {  	s8 =	sshll.u32 s22, $0xB;
	s9 =	sshll.u32 s21, $0x3;
	s0 =	sadd.s32 s6, s0  }
0x83: {  	[tilespmem:s7], [sflag:$0x1] =	stream.linear.gather [hbm4b:s0+s10], $0x10, $0x38;
	[tilespmem:$0x300] =	vst v63  }
0x84: {  	s22 =	sshll.u32 s22, $0x7;
	s1 =	sand.u32 $0xFFFFFC00, s9;
	s0 =	sand.u32 $0xFFFFC000, s8  }
0x85: {  	s23 =	sand.u32 $0x380, s22;
	s0 =	sadd.s32 s0, s1  }
0x86: {  	s24 =	sand.u32 $0x70, s21;
	s0 =	sor.u32 s23, s0  }
0x87: {  	s0 =	sor.u32 s24, s0  }
0x88: {  	s25 =	simm.s32 $0x200;
	s0 =	sshrl.u32 s0, $0x3  }
0x89: {  	s26 =	sshll.u32 s20, $0xB;
	s28 =	sshll.u32 s19, $0x3;
	s0 =	sadd.s32 s6, s0  }
0x8a: {  	[tilespmem:s25], [sflag:$0x1] =	stream.linear.gather [hbm4b:s0+s10], $0x10, $0x38;
	[tilespmem:$0x300] =	vst v63  }
0x8b: {  	s29 =	sshll.u32 s20, $0x7;
	s1 =	sand.u32 $0xFFFFFC00, s28;
	s0 =	sand.u32 $0xFFFFC000, s26  }
0x8c: {  	s30 =	sand.u32 $0x380, s29;
	s0 =	sadd.s32 s0, s1  }
0x8d: {  	s31 =	sand.u32 $0x70, s19;
	s0 =	sor.u32 s30, s0  }
0x8e: {  	s0 =	sor.u32 s31, s0  }
0x8f: {  	s2 =	simm.s32 $0x210;
	s0 =	sshrl.u32 s0, $0x3  }
0x90: {  	s5 =	sshll.u32 s18, $0xB;
	s7 =	sshll.u32 s17, $0x3;
	s0 =	sadd.s32 s6, s0  }
0x91: {  	[tilespmem:s2], [sflag:$0x1] =	stream.linear.gather [hbm4b:s0+s10], $0x10, $0x38;
	[tilespmem:$0x300] =	vst v63  }
0x92: {  	s8 =	sshll.u32 s18, $0x7;
	s1 =	sand.u32 $0xFFFFFC00, s7;
	s0 =	sand.u32 $0xFFFFC000, s5  }
0x93: {  	s9 =	sand.u32 $0x380, s8;
	s0 =	sadd.s32 s0, s1  }
0x94: {  	s18 =	sand.u32 $0x70, s17;
	s0 =	sor.u32 s9, s0  }
0x95: {  	s0 =	sor.u32 s18, s0  }
0x96: {  	s21 =	sshll.u32 s15, $0x3;
	s0 =	sshrl.u32 s0, $0x3  }
0x97: {  	s19 =	simm.s32 $0x220;
	s20 =	sshll.u32 s16, $0xB;
	s0 =	sadd.s32 s6, s0  }
0x98: {  	[tilespmem:s19], [sflag:$0x1] =	stream.linear.gather [hbm4b:s0+s10], $0x10, $0x38;
	[tilespmem:$0x300] =	vst v63  }
0x99: {  	s22 =	sshll.u32 s16, $0x7;
	s1 =	sand.u32 $0xFFFFFC00, s21;
	s0 =	sand.u32 $0xFFFFC000, s20  }
0x9a: {  	s23 =	sand.u32 $0x380, s22;
	s0 =	sadd.s32 s0, s1  }
0x9b: {  	s24 =	sand.u32 $0x70, s15;
	s0 =	sor.u32 s23, s0  }
0x9c: {  	s0 =	sor.u32 s24, s0  }
0x9d: {  	s28 =	sshll.u32 s13, $0x3;
	s0 =	sshrl.u32 s0, $0x3  }
0x9e: {  	s25 =	simm.s32 $0x230;
	s26 =	sshll.u32 s14, $0xB;
	s0 =	sadd.s32 s6, s0  }
0x9f: {  	[tilespmem:s25], [sflag:$0x1] =	stream.linear.gather [hbm4b:s0+s10], $0x10, $0x38;
	[tilespmem:$0x300] =	vst v63  }
0xa0: {  	s29 =	sshll.u32 s14, $0x7;
	s1 =	sand.u32 $0xFFFFFC00, s28;
	s0 =	sand.u32 $0xFFFFC000, s26  }
0xa1: {  	s30 =	sand.u32 $0x380, s29;
	s0 =	sadd.s32 s0, s1  }
0xa2: {  	s31 =	sand.u32 $0x70, s13;
	s0 =	sor.u32 s30, s0  }
0xa3: {  	s0 =	sor.u32 s31, s0  }
0xa4: {  	s7 =	sshll.u32 s11, $0x3;
	s0 =	sshrl.u32 s0, $0x3  }
0xa5: {  	s2 =	simm.s32 $0x240;
	s5 =	sshll.u32 s12, $0xB;
	s0 =	sadd.s32 s6, s0  }
0xa6: {  	[tilespmem:s2], [sflag:$0x1] =	stream.linear.gather [hbm4b:s0+s10], $0x10, $0x38;
	[tilespmem:$0x300] =	vst v63  }
0xa7: {  	s8 =	sshll.u32 s12, $0x7;
	s1 =	sand.u32 $0xFFFFFC00, s7;
	s0 =	sand.u32 $0xFFFFC000, s5  }
0xa8: {  	s9 =	sand.u32 $0x380, s8;
	s0 =	sadd.s32 s0, s1  }
0xa9: {  	s11 =	sand.u32 $0x70, s11;
	s0 =	sor.u32 s9, s0  }
0xaa: {  	s15 =	rddreg [dreg:$0x9];
	s0 =	sor.u32 s11, s0  }
0xab: {  	s16 =	sshll.u32 s15, $0x3;
	s13 =	rddreg [dreg:$0xa];
	s0 =	sshrl.u32 s0, $0x3  }
0xac: {  	s14 =	sshll.u32 s13, $0xB;
	s12 =	simm.s32 $0x250;
	s0 =	sadd.s32 s6, s0  }
0xad: {  	[tilespmem:s12], [sflag:$0x1] =	stream.linear.gather [hbm4b:s0+s10], $0x10, $0x38;
	[tilespmem:$0x300] =	vst v63  }
0xae: {  	s2 =	sshll.u32 s13, $0x7;
	s1 =	sand.u32 $0xFFFFFC00, s16;
	s0 =	sand.u32 $0xFFFFC000, s14  }
0xaf: {  	s17 =	sand.u32 $0x380, s2;
	s0 =	sadd.s32 s0, s1  }
0xb0: {  	s18 =	sand.u32 $0x70, s15;
	s0 =	sor.u32 s17, s0  }
0xb1: {  	s22 =	rddreg [dreg:$0x7];
	s0 =	sor.u32 s18, s0  }
0xb2: {  	s19 =	simm.s32 $0x260;
	s20 =	rddreg [dreg:$0x8];
	s0 =	sshrl.u32 s0, $0x3  }
0xb3: {  	s21 =	sshll.u32 s20, $0xB;
	s23 =	sshll.u32 s22, $0x3;
	s0 =	sadd.s32 s6, s0  }
0xb4: {  	[tilespmem:s19], [sflag:$0x1] =	stream.linear.gather [hbm4b:s0+s10], $0x10, $0x38;
	[tilespmem:$0x300] =	vst v63  }
0xb5: {  	s2 =	sshll.u32 s20, $0x7;
	s1 =	sand.u32 $0xFFFFFC00, s23;
	s0 =	sand.u32 $0xFFFFC000, s21  }
0xb6: {  	s24 =	sand.u32 $0x380, s2;
	s0 =	sadd.s32 s0, s1  }
0xb7: {  	s25 =	sand.u32 $0x70, s22;
	s0 =	sor.u32 s24, s0  }
0xb8: {  	s0 =	sor.u32 s25, s0  }
0xb9: {  	s0 =	sshrl.u32 s0, $0x3  }
0xba: {  	s28 =	simm.s32 $0x1;
	s26 =	simm.s32 $0x270;
	s0 =	sadd.s32 s6, s0  }
0xbb: {  	[tilespmem:s26], [sflag:$0x1] =	stream.linear.gather [hbm4b:s0+s10], $0x10, $0x38;
	[tilespmem:$0x300] =	vst v63  }
0xbc: {  	s3 =	rddreg [dreg:$0x5];
	_ =	swait.ge [sflag:s28], $0x10  }
0xbd: {  	[sflag:s28] =	ssyncset.done $0x0  }
0xbe: {  	[sflag:s28] =	ssyncadd.s32 $0xFFFFFFF0  }
0xbf: {  	_ =	swait.ge [sflag:s28], $0x10  }
0xc0: {  	[sflag:s28] =	ssyncset.done $0x0  }
0xc1: {  	[sflag:s28] =	ssyncadd.s32 $0xFFFFFFF0  }
0xc2: {  	_ =	swait.ge [sflag:s28], $0x10  }
0xc3: {  	[sflag:s28] =	ssyncset.done $0x0  }
0xc4: {  	[sflag:s28] =	ssyncadd.s32 $0xFFFFFFF0  }
0xc5: {  	_ =	swait.ge [sflag:s28], $0x10  }
0xc6: {  	[sflag:s28] =	ssyncset.done $0x0  }
0xc7: {  	[sflag:s28] =	ssyncadd.s32 $0xFFFFFFF0  }
0xc8: {  	_ =	swait.ge [sflag:s28], $0x10  }
0xc9: {  	[sflag:s28] =	ssyncset.done $0x0  }
0xca: {  	[sflag:s28] =	ssyncadd.s32 $0xFFFFFFF0  }
0xcb: {  	_ =	swait.ge [sflag:s28], $0x10  }
0xcc: {  	[sflag:s28] =	ssyncset.done $0x0  }
0xcd: {  	[sflag:s28] =	ssyncadd.s32 $0xFFFFFFF0  }
0xce: {  	_ =	swait.ge [sflag:s28], $0x10  }
0xcf: {  	[sflag:s28] =	ssyncset.done $0x0  }
0xd0: {  	[sflag:s28] =	ssyncadd.s32 $0xFFFFFFF0  }
0xd1: {  	_ =	swait.ge [sflag:s28], $0x10  }
0xd2: {  	[sflag:s28] =	ssyncset.done $0x0  }
0xd3: {  	[sflag:s28] =	ssyncadd.s32 $0xFFFFFFF0  }
0xd4: {  	_ =	swait.ge [sflag:s28], $0x10  }
0xd5: {  	[sflag:s28] =	ssyncset.done $0x0  }
0xd6: {  	[sflag:s28] =	ssyncadd.s32 $0xFFFFFFF0  }
0xd7: {  	_ =	swait.ge [sflag:s28], $0x10  }
0xd8: {  	[sflag:s28] =	ssyncset.done $0x0  }
0xd9: {  	[sflag:s28] =	ssyncadd.s32 $0xFFFFFFF0  }
0xda: {  	_ =	swait.ge [sflag:s28], $0x10  }
0xdb: {  	[sflag:s28] =	ssyncset.done $0x0  }
0xdc: {  	[sflag:s28] =	ssyncadd.s32 $0xFFFFFFF0  }
0xdd: {  	_ =	swait.ge [sflag:s28], $0x10  }
0xde: {  	[sflag:s28] =	ssyncset.done $0x0  }
0xdf: {  	[sflag:s28] =	ssyncadd.s32 $0xFFFFFFF0  }
0xe0: {  	_ =	swait.ge [sflag:s28], $0x10  }
0xe1: {  	[sflag:s28] =	ssyncset.done $0x0  }
0xe2: {  	[sflag:s28] =	ssyncadd.s32 $0xFFFFFFF0  }
0xe3: {  	_ =	swait.ge [sflag:s28], $0x10  }
0xe4: {  	[sflag:s28] =	ssyncset.done $0x0  }
0xe5: {  	[sflag:s28] =	ssyncadd.s32 $0xFFFFFFF0  }
0xe6: {  	_ =	swait.ge [sflag:s28], $0x10  }
0xe7: {  	[sflag:s28] =	ssyncset.done $0x0  }
0xe8: {  	[sflag:s28] =	ssyncadd.s32 $0xFFFFFFF0  }
0xe9: {  	_ =	swait.ge [sflag:s28], $0x10  }
0xea: {  	[sflag:s28] =	ssyncset.done $0x0  }
0xeb: {  	[sflag:s28] =	ssyncadd.s32 $0xFFFFFFF0  }
0xec: {  	v31 =	vld [tilespmem:$0x180]  }
0xed: {  	vm0 =	vmmov $0x1;
	vm14 =	vmmov $0x3;
	v32 =	vld [tilespmem:$0x190]  }
0xee: {  	vm15 =	vmmov $0x7;
	vm4 =	vmmov $0xf;
	vm5 =	vmmov $0x1f;
	v4 =	vld [tilespmem:$0x1A0]  }
0xef: {  	vm6 =	vmmov $0x3f;
	vm7 =	vmmov $0x7f;
	vm8 =	vmmov $0xff;
	v6 =	vld [tilespmem:$0x1B0]  }
0xf0: {  	vm9 =	vmmov $0x1ff;
	v3 =	vbroadcast v0, $0x0;
	v5 =	vbroadcast v0, $0x1;
	v34 =	vld [tilespmem:$0x1C0]  }
0xf1: {  	vm10 =	vmmov $0x3ff;
	v33 =	vbroadcast v0, $0x2;
	v7 =	vbroadcast v0, $0x3;
	v8 =	vld [tilespmem:$0x1D0]  }
0xf2: {  	vm11 =	vmmov $0x7ff;
	v38 =	vld [tilespmem:$0x1E0];
	v1 =	vperm.xlane v31, v3;
	v2 =	vperm.xlane v32, v5  }
0xf3: {  	vm12 =	vmmov $0xfff;
	v37 =	vbroadcast v0, $0x4;
	v40 =	vld [tilespmem:$0x1F0];
	v35 =	vperm.xlane v4, v33  }
0xf4: {  	v39 =	vbroadcast v0, $0x5;
	v43 =	vld [tilespmem:$0x200];
	v36 =	vperm.xlane v6, v7;
	v1 =	vsel vm0, v1, v2  }
0xf5: {  	v42 =	vbroadcast v0, $0x6;
	v45 =	vld [tilespmem:$0x210];
	v41 =	vperm.xlane v34, v37;
	v1 =	vsel vm14, v1, v35  }
0xf6: {  	v44 =	vbroadcast v0, $0x7;
	v48 =	vld [tilespmem:$0x220];
	v2 =	vperm.xlane v8, v39;
	v1 =	vsel vm15, v1, v36  }
0xf7: {  	v47 =	vbroadcast v0, $0x8;
	v50 =	vld [tilespmem:$0x230];
	v46 =	vperm.xlane v38, v42;
	v1 =	vsel vm4, v1, v41  }
0xf8: {  	v49 =	vbroadcast v0, $0x9;
	v53 =	vld [tilespmem:$0x240];
	v3 =	vperm.xlane v40, v44;
	v1 =	vsel vm5, v1, v2  }
0xf9: {  	v52 =	vbroadcast v0, $0xA;
	v55 =	vld [tilespmem:$0x250];
	v51 =	vperm.xlane v43, v47;
	v1 =	vsel vm6, v1, v46  }
0xfa: {  	v54 =	vbroadcast v0, $0xB;
	v57 =	vld [tilespmem:$0x260];
	v2 =	vperm.xlane v45, v49;
	v1 =	vsel vm7, v1, v3  }
0xfb: {  	v58 =	vbroadcast v0, $0xC;
	v59 =	vld [tilespmem:$0x270];
	v56 =	vperm.xlane v48, v52;
	v1 =	vsel vm8, v1, v51  }
0xfc: {  	v60 =	vbroadcast v0, $0xD;
	v3 =	vperm.xlane v50, v54;
	v1 =	vsel vm9, v1, v2  }
0xfd: {  	v62 =	vbroadcast v0, $0xE;
	v61 =	vperm.xlane v53, v58;
	v1 =	vsel vm10, v1, v56  }
0xfe: {  	v0 =	vbroadcast v0, $0xF;
	v2 =	vperm.xlane v55, v60;
	v1 =	vsel vm11, v1, v3  }
0xff: {  	vm13 =	vmmov $0x1fff;
	v63 =	vperm.xlane v57, v62;
	v1 =	vsel vm12, v1, v61  }
0x100: {  	v0 =	vperm.xlane v59, v0;
	vm14 =	vmmov $0x3fff;
	v1 =	vsel vm13, v1, v2  }
0x101: {  	s29 =	rddreg [dreg:$0x6];
	vm15 =	vmmov $0x7fff;
	v1 =	vsel vm14, v1, v63  }
0x102: {  	s30 =	rddreg [dreg:$0x4];
	v0 =	vsel vm15, v1, v0  }
0x103: {  	s31 =	simm.s32 $0x280;
	s0 =	sadd.s32 s30, s29;
	[tilespmem:$0x280] =	vst v0  }
0x104: {  	[hbm4b:s0+s10] =	stream.linear.scatter [tilespmem:s31], [sflag:$0x2], $0x10, $0x38;
	[tilespmem:$0x300] =	vst v63  }
0x105: {  	_ =	swait.ge [sflag:s4], $0x10  }
0x106: {  	[sflag:s4] =	ssyncset.done $0x0  }
0x107: {  	[sflag:s4] =	ssyncadd.s32 $0xFFFFFFF0;
	s4 =	stileid.u32  }
.LBB2_2:
0x108: {  	_ =	sfence.sel $0x180000  }
0x109: {  	[bflag:$0x0] =	sbarrier.arrive $0xFFFF  }
0x10a: {  	p0 =	sne.s32 s4, $0x0;
	_ =	strace $0x90000047  }
0x10b: {  	s0 =	sadd.s32 @!p0 $0x100000, s3;
	[bflag:$0x2] =	sbarrier.arrive $0xFFFF  }
0x10c: {  	[sflag:s0] =	ssyncadd.tile.s32 @!p0 $0x1;
	_ =	shalt  }
.Lfunc_end2:
_tile_overlayer_lowered:
.L_overlay_start_2:
0x10d: {  	(tag) =	ssettag $0x2  }
0x10e: {  	s0 =	rddreg [dreg:$0x0];
	s2 =	stileid.u32  }
0x10f: {  	s1 =	rddreg [dreg:$0x1];
	p0 =	sne.s32 s2, $0x0  }
0x110: {  	s3 =	rddreg [dreg:$0x2];
	[bflag:$0x3] =	sbarrier.arrive $0xFFFF;
	s2 =	simm.s32 @!p0 $0x1C02  }
0x111: {  	[timem:s3], [sflag:s2] =	dma.local @!p0 [hbm:s0], s1  }
0x112: {  	s0 =	simm.s32 @!p0 $0x2  }
0x113: {  	_ =	swait.ge @!p0 [sflag:s0], s1  }
0x114: {  	s1 =	ssub.s32 @!p0 $0x0, s1;
	[sflag:s0] =	ssyncset.done @!p0 $0x0  }
0x115: {  	[sflag:s0] =	ssyncadd.s32 @!p0 s1  }
0x116: {  	[bflag:$0x3] =	sbarrier.arrive $0xFFFF  }
0x117: {  	_ =	shalt  }

</sc_bundles>
